<compile_context>
chip_gen: v7x
topology: tpu7x:2x2x1
jax: 0.10.2.dev20260603
libtpu: 0.0.44.dev20260713+nightly
codegen_flags: <defaults>
</compile_context>

<pallas_src>
import functools

import jax
import jax.numpy as jnp
from jax import lax
from jax.experimental import pallas as pl
from jax.experimental.pallas import tpu as pltpu
from jax.experimental.pallas import tpu_sc as plsc

BINS = 256
L = 16
NSUB = 16
NCHUNK = BINS // L
BIG = 1 << 30

_MESH = plsc.VectorSubcoreMesh(core_axis_name="c", subcore_axis_name="s")


def _combine(new_v, new_r, old_v, old_r):
    take = (new_v > old_v) | ((new_v == old_v) & (new_r < old_r))
    return jnp.where(take, new_v, old_v), jnp.where(take, new_r, old_r)


def _otsu_body(hist_hbm, out_hbm, hist_v, cs_v, ds_v, s2_v, m2_v,
               myvr_v, allvr_v, outv_v, stage_hbm):
    s = lax.axis_index("s")
    c = lax.axis_index("c")
    iota_i = lax.broadcasted_iota(jnp.int32, (L,), 0)
    iota_f = iota_i.astype(jnp.float32)

    pltpu.sync_copy(hist_hbm, hist_v)
    cc = jnp.float32(0.0)
    dc = jnp.float32(0.0)
    for j in range(NCHUNK):
        h = hist_v[pl.ds(j * L, L)]
        hb = h * (iota_f + jnp.float32(j * L))
        cs_v[pl.ds(j * L, L)] = plsc.cumsum(h) + cc
        ds_v[pl.ds(j * L, L)] = plsc.cumsum(hb) + dc
        cc = cc + jnp.sum(h)
        dc = dc + jnp.sum(hb)
    ctot, dtot = cc, dc

    for j in range(NCHUNK):
        cb = cs_v[pl.ds(j * L, L)]
        db = ds_v[pl.ds(j * L, L)]
        s2 = ctot - cb
        s2_v[pl.ds(j * L, L)] = s2
        m2_v[pl.ds(j * L, L)] = (dtot - db) / s2

    def row_body(t, carry):
        a = s + NSUB * t
        av = jnp.broadcast_to(a, (L,)).astype(jnp.int32)
        ca = plsc.load_gather(cs_v, (av,))
        da = plsc.load_gather(ds_v, (av,))
        m0 = da / ca
        jlo = (a + 1) // L

        def chunk_body(j, inner):
            best_v, best_r = inner
            base = j * L
            cb = cs_v[pl.ds(base, L)]
            db = ds_v[pl.ds(base, L)]
            s2 = s2_v[pl.ds(base, L)]
            m2 = m2_v[pl.ds(base, L)]
            s1 = cb - ca
            m1 = (db - da) / s1
            d01, d02, d12 = m0 - m1, m0 - m2, m1 - m2
            var = (ca * s1 * (d01 * d01)
                   + ca * s2 * (d02 * d02)
                   + s1 * s2 * (d12 * d12))
            empty = (ca == jnp.float32(0.0)) | (s1 == jnp.float32(0.0)) \
                | (s2 == jnp.float32(0.0))
            var = jnp.where(empty, jnp.float32(0.0), var)
            b2 = iota_i + base
            valid = (b2 > a) & (b2 <= BINS - 2)
            var = jnp.where(valid, var, jnp.float32(-1.0))
            take = var > best_v
            best_v = jnp.maximum(var, best_v)
            best_r = jnp.where(take, a * BINS + b2, best_r)
            return best_v, best_r

        return lax.fori_loop(jlo, NCHUNK, chunk_body, carry)

    init = (jnp.full((L,), -0.5, jnp.float32), jnp.full((L,), BIG, jnp.int32))
    best_v, best_r = lax.fori_loop(0, NSUB, row_body, init)

    myvr_v[0, :] = best_v
    myvr_v[1, :] = plsc.bitcast(best_r, jnp.float32)
    pltpu.sync_copy(myvr_v, stage_hbm.at[c * NSUB + s])
    plsc.subcore_barrier()

    @pl.when(s == 0)
    def _():
        pltpu.sync_copy(stage_hbm.at[pl.ds(c * NSUB, NSUB)], allvr_v)
        red_v = allvr_v[0, 0, :]
        red_r = plsc.bitcast(allvr_v[0, 1, :], jnp.int32)
        for i in range(1, NSUB):
            red_v, red_r = _combine(allvr_v[i, 0, :],
                                    plsc.bitcast(allvr_v[i, 1, :], jnp.int32),
                                    red_v, red_r)
        m = jnp.max(red_v)
        r = jnp.min(jnp.where(red_v == m, red_r, jnp.int32(BIG)))
        a = r // BINS
        b2 = r - a * BINS
        outv_v[...] = jnp.where(iota_i == 0, a,
                                jnp.where(iota_i == 1, b2, jnp.int32(0)))
        pltpu.sync_copy(outv_v, out_hbm)


_otsu = functools.partial(
    pl.kernel,
    out_type=jax.ShapeDtypeStruct((L,), jnp.int32),
    mesh=_MESH,
    compiler_params=pltpu.CompilerParams(needs_layout_passes=False),
    scratch_types=[
        pltpu.VMEM((BINS,), jnp.float32),
        pltpu.VMEM((BINS,), jnp.float32),
        pltpu.VMEM((BINS,), jnp.float32),
        pltpu.VMEM((BINS,), jnp.float32),
        pltpu.VMEM((BINS,), jnp.float32),
        pltpu.VMEM((2, L), jnp.float32),
        pltpu.VMEM((NSUB, 2, L), jnp.float32),
        pltpu.VMEM((L,), jnp.int32),
        pltpu.MemorySpace.HBM((2 * NSUB, 2, L), jnp.float32),
    ],
)(_otsu_body)


def kernel(input, mask, threshold_indices):
    del mask, threshold_indices
    out = _otsu(input.astype(jnp.float32))
    return (out[0], out[1])

# --- scband reference (transcript-rebuilt; emitter-appended) ---
"""Pipeline reference for scband-multi-otsu-threshold-25967372272246 (READ-ONLY COPY).

The authoritative reference and input builder live on the scoring server;
editing this copy changes nothing except your own understanding.
"""

import jax, jax.numpy as jnp
import numpy as np
import itertools

MIN_VAL = 0
MAX_VAL = 256
N_CLASS = 3
BINS = MAX_VAL - MIN_VAL


def _build_buffers():
    # combinations of (n_class-1) thresholds drawn from range(1, BINS)
    combos = np.array(list(itertools.combinations(range(1, BINS), N_CLASS - 1)), dtype=np.int64)  # [C, n_class-1]
    bins = np.arange(BINS, dtype=np.int64)
    # mask_idx[i, b] = number of thresholds in combo i that are <= b  (class id of bin b)
    mask_idx = (bins[None, None, :] >= combos[:, :, None]).sum(axis=1)  # [C, BINS]
    mask = np.stack([(mask_idx == i) for i in range(N_CLASS)], axis=0).astype(np.float32)  # [N_CLASS, C, BINS]
    # threshold_indices[i] per torch code telescopes to combos[:, i] - 1
    threshold_indices = combos - 1  # [C, n_class-1]
    return jnp.asarray(mask), jnp.asarray(threshold_indices)


def setup_inputs(seed: int = 0) -> dict:
    key = jax.random.key(seed)
    hist = jax.random.uniform(key, (BINS,), dtype=jnp.float32)
    mask, threshold_indices = _build_buffers()
    return {"input": hist, "mask": mask, "threshold_indices": threshold_indices}


def reference(input, mask, threshold_indices):
    hist = input
    cls_val = jnp.arange(MIN_VAL, MAX_VAL, dtype=jnp.float32)  # [BINS]
    masked_hist_class = hist * cls_val * mask  # [N_CLASS, C, BINS]
    masked_hist = hist * mask                  # [N_CLASS, C, BINS]
    fc_sum = jnp.sum(masked_hist_class, axis=2)  # [N_CLASS, C]
    num = jnp.sum(masked_hist, axis=2)           # [N_CLASS, C]
    mean = fc_sum / num
    C = mask.shape[1]
    var_hist = jnp.zeros((C,), dtype=jnp.float32)
    for i, j in itertools.combinations(range(N_CLASS), 2):
        var_hist = var_hist + num[i, :] * num[j, :] * (mean[i, :] - mean[j, :]) ** 2
    var_hist = jnp.where(jnp.isnan(var_hist), jnp.zeros((), dtype=jnp.float32), var_hist)
    thresh_idx = jnp.argmax(var_hist)
    thresholds = tuple(threshold_indices[thresh_idx, i] for i in range(N_CLASS - 1))
    return thresholds

if __name__ == "__main__":
    import jax
    _d = setup_inputs()
    print(jax.jit(kernel)(*tuple(_d.values())))

</pallas_src>

<mosaic_0001>
#map = affine_map<(d0, d1) -> (0)>
module attributes {stable_mosaic.version = 14 : i64} {
  func.func @_otsu_body(%arg0: i32, %arg1: i32, %arg2: memref<256xf32, #tpu.memory_space<hbm>>, %arg3: memref<16xi32, #tpu.memory_space<hbm>>, %arg4: memref<256xf32, #tpu.memory_space<vmem>>, %arg5: memref<256xf32, #tpu.memory_space<vmem>>, %arg6: memref<256xf32, #tpu.memory_space<vmem>>, %arg7: memref<256xf32, #tpu.memory_space<vmem>>, %arg8: memref<256xf32, #tpu.memory_space<vmem>>, %arg9: memref<2x16xf32, #tpu.memory_space<vmem>>, %arg10: memref<16x2x16xf32, #tpu.memory_space<vmem>>, %arg11: memref<16xi32, #tpu.memory_space<vmem>>, %arg12: memref<32x2x16xf32, #tpu.memory_space<hbm>>) attributes {dimension_semantics = [#tpu.dimension_semantics<core_parallel>, #tpu.dimension_semantics<subcore_parallel>], iteration_bounds = array<i64: 2, 16>, scalar_prefetch = 0 : i64, scratch_operands = 9 : i64, tpu.core_type = #tpu.core_type<sc_vector_subcore>, window_params = [{transform_indices = #map}, {transform_indices = #map}]} {
    %iota3A = tpu.iota {dimensions = array<i32: 0>} : vector<16xi32>
    %convert_element_type3A = arith.sitofp %iota3A : vector<16xi32> to vector<16xf32>
    "tpu.region"() ({
      %run_scoped3A = tpu.sem_alloc : memref<!tpu.dma_semaphore, #tpu.memory_space<semaphore_mem>>
      tpu.enqueue_dma source(%arg2 : memref<256xf32, #tpu.memory_space<hbm>>) target(%arg4 : memref<256xf32, #tpu.memory_space<vmem>>) target_semaphore(%run_scoped3A : memref<!tpu.dma_semaphore, #tpu.memory_space<semaphore_mem>>)
      tpu.wait_dma2 semaphore(%run_scoped3A : memref<!tpu.dma_semaphore, #tpu.memory_space<semaphore_mem>>) src(%arg2 : memref<256xf32, #tpu.memory_space<hbm>>) dst(%arg4 : memref<256xf32, #tpu.memory_space<vmem>>)
      tpu.yield
    }) : () -> ()
    %get3A = arith.constant 0 : index
    %get3A_0 = tpu.vector_load %arg4[%get3A] {strides = array<i32>} : memref<256xf32, #tpu.memory_space<vmem>>, vector<16xf32>,
    %add3A = arith.constant 0.000000e+00 : f32
    %add3A_1 = vector.broadcast %add3A : f32 to vector<16xf32>
    %add3A_2 = arith.addf %convert_element_type3A, %add3A_1 : vector<16xf32>
    %mul3A = arith.mulf %get3A_0, %add3A_2 : vector<16xf32>
    %broadcast_in_dim3A = arith.constant true
    %broadcast_in_dim3A_3 = vector.broadcast %broadcast_in_dim3A : i1 to vector<16xi1>
    %masked_cumsum3A = tpu.scan <sum>, %get3A_0 masked %broadcast_in_dim3A_3 : vector<16xf32>, vector<16xi1> -> vector<16xf32>
    %add3A_4 = arith.constant 0.000000e+00 : f32
    %add3A_5 = vector.broadcast %add3A_4 : f32 to vector<16xf32>
    %add3A_6 = arith.addf %masked_cumsum3A, %add3A_5 : vector<16xf32>
    %swap3A = arith.constant 0 : index
    %swap3A_7 = tpu.vector_load %arg5[%swap3A] {strides = array<i32>} : memref<256xf32, #tpu.memory_space<vmem>>, vector<16xf32>,
    tpu.vector_store %arg5[%swap3A], %add3A_6 {strides = array<i32>} : memref<256xf32, #tpu.memory_space<vmem>>, vector<16xf32>,
    %broadcast_in_dim3A_8 = arith.constant true
    %broadcast_in_dim3A_9 = vector.broadcast %broadcast_in_dim3A_8 : i1 to vector<16xi1>
    %masked_cumsum3A_10 = tpu.scan <sum>, %mul3A masked %broadcast_in_dim3A_9 : vector<16xf32>, vector<16xi1> -> vector<16xf32>
    %add3A_11 = arith.constant 0.000000e+00 : f32
    %add3A_12 = vector.broadcast %add3A_11 : f32 to vector<16xf32>
    %add3A_13 = arith.addf %masked_cumsum3A_10, %add3A_12 : vector<16xf32>
    %swap3A_14 = arith.constant 0 : index
    %swap3A_15 = tpu.vector_load %arg6[%swap3A_14] {strides = array<i32>} : memref<256xf32, #tpu.memory_space<vmem>>, vector<16xf32>,
    tpu.vector_store %arg6[%swap3A_14], %add3A_13 {strides = array<i32>} : memref<256xf32, #tpu.memory_space<vmem>>, vector<16xf32>,
    %reduce_sum3A = arith.constant true
    %reduce_sum3A_16 = vector.broadcast %reduce_sum3A : i1 to vector<16xi1>
    %reduce_sum3A_17 = tpu.scan <sum>, %get3A_0 masked %reduce_sum3A_16 : vector<16xf32>, vector<16xi1> -> vector<16xf32>
    %reduce_sum3A_18 = vector.extract %reduce_sum3A_17[15] : f32 from vector<16xf32>
    %add3A_19 = arith.constant 0.000000e+00 : f32
    %add3A_20 = arith.addf %add3A_19, %reduce_sum3A_18 : f32
    %reduce_sum3A_21 = arith.constant true
    %reduce_sum3A_22 = vector.broadcast %reduce_sum3A_21 : i1 to vector<16xi1>
    %reduce_sum3A_23 = tpu.scan <sum>, %mul3A masked %reduce_sum3A_22 : vector<16xf32>, vector<16xi1> -> vector<16xf32>
    %reduce_sum3A_24 = vector.extract %reduce_sum3A_23[15] : f32 from vector<16xf32>
    %add3A_25 = arith.constant 0.000000e+00 : f32
    %add3A_26 = arith.addf %add3A_25, %reduce_sum3A_24 : f32
    %get3A_27 = arith.constant 16 : index
    %get3A_28 = tpu.vector_load %arg4[%get3A_27] {strides = array<i32>} : memref<256xf32, #tpu.memory_space<vmem>>, vector<16xf32>,
    %add3A_29 = arith.constant 1.600000e+01 : f32
    %add3A_30 = vector.broadcast %add3A_29 : f32 to vector<16xf32>
    %add3A_31 = arith.addf %convert_element_type3A, %add3A_30 : vector<16xf32>
    %mul3A_32 = arith.mulf %get3A_28, %add3A_31 : vector<16xf32>
    %broadcast_in_dim3A_33 = arith.constant true
    %broadcast_in_dim3A_34 = vector.broadcast %broadcast_in_dim3A_33 : i1 to vector<16xi1>
    %masked_cumsum3A_35 = tpu.scan <sum>, %get3A_28 masked %broadcast_in_dim3A_34 : vector<16xf32>, vector<16xi1> -> vector<16xf32>
    %add3A_36 = vector.broadcast %add3A_20 : f32 to vector<16xf32>
    %add3A_37 = arith.addf %masked_cumsum3A_35, %add3A_36 : vector<16xf32>
    %swap3A_38 = arith.constant 16 : index
    %swap3A_39 = tpu.vector_load %arg5[%swap3A_38] {strides = array<i32>} : memref<256xf32, #tpu.memory_space<vmem>>, vector<16xf32>,
    tpu.vector_store %arg5[%swap3A_38], %add3A_37 {strides = array<i32>} : memref<256xf32, #tpu.memory_space<vmem>>, vector<16xf32>,
    %broadcast_in_dim3A_40 = arith.constant true
    %broadcast_in_dim3A_41 = vector.broadcast %broadcast_in_dim3A_40 : i1 to vector<16xi1>
    %masked_cumsum3A_42 = tpu.scan <sum>, %mul3A_32 masked %broadcast_in_dim3A_41 : vector<16xf32>, vector<16xi1> -> vector<16xf32>
    %add3A_43 = vector.broadcast %add3A_26 : f32 to vector<16xf32>
    %add3A_44 = arith.addf %masked_cumsum3A_42, %add3A_43 : vector<16xf32>
    %swap3A_45 = arith.constant 16 : index
    %swap3A_46 = tpu.vector_load %arg6[%swap3A_45] {strides = array<i32>} : memref<256xf32, #tpu.memory_space<vmem>>, vector<16xf32>,
    tpu.vector_store %arg6[%swap3A_45], %add3A_44 {strides = array<i32>} : memref<256xf32, #tpu.memory_space<vmem>>, vector<16xf32>,
    %reduce_sum3A_47 = arith.constant true
    %reduce_sum3A_48 = vector.broadcast %reduce_sum3A_47 : i1 to vector<16xi1>
    %reduce_sum3A_49 = tpu.scan <sum>, %get3A_28 masked %reduce_sum3A_48 : vector<16xf32>, vector<16xi1> -> vector<16xf32>
    %reduce_sum3A_50 = vector.extract %reduce_sum3A_49[15] : f32 from vector<16xf32>
    %add3A_51 = arith.addf %add3A_20, %reduce_sum3A_50 : f32
    %reduce_sum3A_52 = arith.constant true
    %reduce_sum3A_53 = vector.broadcast %reduce_sum3A_52 : i1 to vector<16xi1>
    %reduce_sum3A_54 = tpu.scan <sum>, %mul3A_32 masked %reduce_sum3A_53 : vector<16xf32>, vector<16xi1> -> vector<16xf32>
    %reduce_sum3A_55 = vector.extract %reduce_sum3A_54[15] : f32 from vector<16xf32>
    %add3A_56 = arith.addf %add3A_26, %reduce_sum3A_55 : f32
    %get3A_57 = arith.constant 32 : index
    %get3A_58 = tpu.vector_load %arg4[%get3A_57] {strides = array<i32>} : memref<256xf32, #tpu.memory_space<vmem>>, vector<16xf32>,
    %add3A_59 = arith.constant 3.200000e+01 : f32
    %add3A_60 = vector.broadcast %add3A_59 : f32 to vector<16xf32>
    %add3A_61 = arith.addf %convert_element_type3A, %add3A_60 : vector<16xf32>
    %mul3A_62 = arith.mulf %get3A_58, %add3A_61 : vector<16xf32>
    %broadcast_in_dim3A_63 = arith.constant true
    %broadcast_in_dim3A_64 = vector.broadcast %broadcast_in_dim3A_63 : i1 to vector<16xi1>
    %masked_cumsum3A_65 = tpu.scan <sum>, %get3A_58 masked %broadcast_in_dim3A_64 : vector<16xf32>, vector<16xi1> -> vector<16xf32>
    %add3A_66 = vector.broadcast %add3A_51 : f32 to vector<16xf32>
    %add3A_67 = arith.addf %masked_cumsum3A_65, %add3A_66 : vector<16xf32>
    %swap3A_68 = arith.constant 32 : index
    %swap3A_69 = tpu.vector_load %arg5[%swap3A_68] {strides = array<i32>} : memref<256xf32, #tpu.memory_space<vmem>>, vector<16xf32>,
    tpu.vector_store %arg5[%swap3A_68], %add3A_67 {strides = array<i32>} : memref<256xf32, #tpu.memory_space<vmem>>, vector<16xf32>,
    %broadcast_in_dim3A_70 = arith.constant true
    %broadcast_in_dim3A_71 = vector.broadcast %broadcast_in_dim3A_70 : i1 to vector<16xi1>
    %masked_cumsum3A_72 = tpu.scan <sum>, %mul3A_62 masked %broadcast_in_dim3A_71 : vector<16xf32>, vector<16xi1> -> vector<16xf32>
    %add3A_73 = vector.broadcast %add3A_56 : f32 to vector<16xf32>
    %add3A_74 = arith.addf %masked_cumsum3A_72, %add3A_73 : vector<16xf32>
    %swap3A_75 = arith.constant 32 : index
    %swap3A_76 = tpu.vector_load %arg6[%swap3A_75] {strides = array<i32>} : memref<256xf32, #tpu.memory_space<vmem>>, vector<16xf32>,
    tpu.vector_store %arg6[%swap3A_75], %add3A_74 {strides = array<i32>} : memref<256xf32, #tpu.memory_space<vmem>>, vector<16xf32>,
    %reduce_sum3A_77 = arith.constant true
    %reduce_sum3A_78 = vector.broadcast %reduce_sum3A_77 : i1 to vector<16xi1>
    %reduce_sum3A_79 = tpu.scan <sum>, %get3A_58 masked %reduce_sum3A_78 : vector<16xf32>, vector<16xi1> -> vector<16xf32>
    %reduce_sum3A_80 = vector.extract %reduce_sum3A_79[15] : f32 from vector<16xf32>
    %add3A_81 = arith.addf %add3A_51, %reduce_sum3A_80 : f32
    %reduce_sum3A_82 = arith.constant true
    %reduce_sum3A_83 = vector.broadcast %reduce_sum3A_82 : i1 to vector<16xi1>
    %reduce_sum3A_84 = tpu.scan <sum>, %mul3A_62 masked %reduce_sum3A_83 : vector<16xf32>, vector<16xi1> -> vector<16xf32>
    %reduce_sum3A_85 = vector.extract %reduce_sum3A_84[15] : f32 from vector<16xf32>
    %add3A_86 = arith.addf %add3A_56, %reduce_sum3A_85 : f32
    %get3A_87 = arith.constant 48 : index
    %get3A_88 = tpu.vector_load %arg4[%get3A_87] {strides = array<i32>} : memref<256xf32, #tpu.memory_space<vmem>>, vector<16xf32>,
    %add3A_89 = arith.constant 4.800000e+01 : f32
    %add3A_90 = vector.broadcast %add3A_89 : f32 to vector<16xf32>
    %add3A_91 = arith.addf %convert_element_type3A, %add3A_90 : vector<16xf32>
    %mul3A_92 = arith.mulf %get3A_88, %add3A_91 : vector<16xf32>
    %broadcast_in_dim3A_93 = arith.constant true
    %broadcast_in_dim3A_94 = vector.broadcast %broadcast_in_dim3A_93 : i1 to vector<16xi1>
    %masked_cumsum3A_95 = tpu.scan <sum>, %get3A_88 masked %broadcast_in_dim3A_94 : vector<16xf32>, vector<16xi1> -> vector<16xf32>
    %add3A_96 = vector.broadcast %add3A_81 : f32 to vector<16xf32>
    %add3A_97 = arith.addf %masked_cumsum3A_95, %add3A_96 : vector<16xf32>
    %swap3A_98 = arith.constant 48 : index
    %swap3A_99 = tpu.vector_load %arg5[%swap3A_98] {strides = array<i32>} : memref<256xf32, #tpu.memory_space<vmem>>, vector<16xf32>,
    tpu.vector_store %arg5[%swap3A_98], %add3A_97 {strides = array<i32>} : memref<256xf32, #tpu.memory_space<vmem>>, vector<16xf32>,
    %broadcast_in_dim3A_100 = arith.constant true
    %broadcast_in_dim3A_101 = vector.broadcast %broadcast_in_dim3A_100 : i1 to vector<16xi1>
    %masked_cumsum3A_102 = tpu.scan <sum>, %mul3A_92 masked %broadcast_in_dim3A_101 : vector<16xf32>, vector<16xi1> -> vector<16xf32>
    %add3A_103 = vector.broadcast %add3A_86 : f32 to vector<16xf32>
    %add3A_104 = arith.addf %masked_cumsum3A_102, %add3A_103 : vector<16xf32>
    %swap3A_105 = arith.constant 48 : index
    %swap3A_106 = tpu.vector_load %arg6[%swap3A_105] {strides = array<i32>} : memref<256xf32, #tpu.memory_space<vmem>>, vector<16xf32>,
    tpu.vector_store %arg6[%swap3A_105], %add3A_104 {strides = array<i32>} : memref<256xf32, #tpu.memory_space<vmem>>, vector<16xf32>,
    %reduce_sum3A_107 = arith.constant true
    %reduce_sum3A_108 = vector.broadcast %reduce_sum3A_107 : i1 to vector<16xi1>
    %reduce_sum3A_109 = tpu.scan <sum>, %get3A_88 masked %reduce_sum3A_108 : vector<16xf32>, vector<16xi1> -> vector<16xf32>
    %reduce_sum3A_110 = vector.extract %reduce_sum3A_109[15] : f32 from vector<16xf32>
    %add3A_111 = arith.addf %add3A_81, %reduce_sum3A_110 : f32
    %reduce_sum3A_112 = arith.constant true
    %reduce_sum3A_113 = vector.broadcast %reduce_sum3A_112 : i1 to vector<16xi1>
    %reduce_sum3A_114 = tpu.scan <sum>, %mul3A_92 masked %reduce_sum3A_113 : vector<16xf32>, vector<16xi1> -> vector<16xf32>
    %reduce_sum3A_115 = vector.extract %reduce_sum3A_114[15] : f32 from vector<16xf32>
    %add3A_116 = arith.addf %add3A_86, %reduce_sum3A_115 : f32
    %get3A_117 = arith.constant 64 : index
    %get3A_118 = tpu.vector_load %arg4[%get3A_117] {strides = array<i32>} : memref<256xf32, #tpu.memory_space<vmem>>, vector<16xf32>,
    %add3A_119 = arith.constant 6.400000e+01 : f32
    %add3A_120 = vector.broadcast %add3A_119 : f32 to vector<16xf32>
    %add3A_121 = arith.addf %convert_element_type3A, %add3A_120 : vector<16xf32>
    %mul3A_122 = arith.mulf %get3A_118, %add3A_121 : vector<16xf32>
    %broadcast_in_dim3A_123 = arith.constant true
    %broadcast_in_dim3A_124 = vector.broadcast %broadcast_in_dim3A_123 : i1 to vector<16xi1>
    %masked_cumsum3A_125 = tpu.scan <sum>, %get3A_118 masked %broadcast_in_dim3A_124 : vector<16xf32>, vector<16xi1> -> vector<16xf32>
    %add3A_126 = vector.broadcast %add3A_111 : f32 to vector<16xf32>
    %add3A_127 = arith.addf %masked_cumsum3A_125, %add3A_126 : vector<16xf32>
    %swap3A_128 = arith.constant 64 : index
    %swap3A_129 = tpu.vector_load %arg5[%swap3A_128] {strides = array<i32>} : memref<256xf32, #tpu.memory_space<vmem>>, vector<16xf32>,
    tpu.vector_store %arg5[%swap3A_128], %add3A_127 {strides = array<i32>} : memref<256xf32, #tpu.memory_space<vmem>>, vector<16xf32>,
    %broadcast_in_dim3A_130 = arith.constant true
    %broadcast_in_dim3A_131 = vector.broadcast %broadcast_in_dim3A_130 : i1 to vector<16xi1>
    %masked_cumsum3A_132 = tpu.scan <sum>, %mul3A_122 masked %broadcast_in_dim3A_131 : vector<16xf32>, vector<16xi1> -> vector<16xf32>
    %add3A_133 = vector.broadcast %add3A_116 : f32 to vector<16xf32>
    %add3A_134 = arith.addf %masked_cumsum3A_132, %add3A_133 : vector<16xf32>
    %swap3A_135 = arith.constant 64 : index
    %swap3A_136 = tpu.vector_load %arg6[%swap3A_135] {strides = array<i32>} : memref<256xf32, #tpu.memory_space<vmem>>, vector<16xf32>,
    tpu.vector_store %arg6[%swap3A_135], %add3A_134 {strides = array<i32>} : memref<256xf32, #tpu.memory_space<vmem>>, vector<16xf32>,
    %reduce_sum3A_137 = arith.constant true
    %reduce_sum3A_138 = vector.broadcast %reduce_sum3A_137 : i1 to vector<16xi1>
    %reduce_sum3A_139 = tpu.scan <sum>, %get3A_118 masked %reduce_sum3A_138 : vector<16xf32>, vector<16xi1> -> vector<16xf32>
    %reduce_sum3A_140 = vector.extract %reduce_sum3A_139[15] : f32 from vector<16xf32>
    %add3A_141 = arith.addf %add3A_111, %reduce_sum3A_140 : f32
    %reduce_sum3A_142 = arith.constant true
    %reduce_sum3A_143 = vector.broadcast %reduce_sum3A_142 : i1 to vector<16xi1>
    %reduce_sum3A_144 = tpu.scan <sum>, %mul3A_122 masked %reduce_sum3A_143 : vector<16xf32>, vector<16xi1> -> vector<16xf32>
    %reduce_sum3A_145 = vector.extract %reduce_sum3A_144[15] : f32 from vector<16xf32>
    %add3A_146 = arith.addf %add3A_116, %reduce_sum3A_145 : f32
    %get3A_147 = arith.constant 80 : index
    %get3A_148 = tpu.vector_load %arg4[%get3A_147] {strides = array<i32>} : memref<256xf32, #tpu.memory_space<vmem>>, vector<16xf32>,
    %add3A_149 = arith.constant 8.000000e+01 : f32
    %add3A_150 = vector.broadcast %add3A_149 : f32 to vector<16xf32>
    %add3A_151 = arith.addf %convert_element_type3A, %add3A_150 : vector<16xf32>
    %mul3A_152 = arith.mulf %get3A_148, %add3A_151 : vector<16xf32>
    %broadcast_in_dim3A_153 = arith.constant true
    %broadcast_in_dim3A_154 = vector.broadcast %broadcast_in_dim3A_153 : i1 to vector<16xi1>
    %masked_cumsum3A_155 = tpu.scan <sum>, %get3A_148 masked %broadcast_in_dim3A_154 : vector<16xf32>, vector<16xi1> -> vector<16xf32>
    %add3A_156 = vector.broadcast %add3A_141 : f32 to vector<16xf32>
    %add3A_157 = arith.addf %masked_cumsum3A_155, %add3A_156 : vector<16xf32>
    %swap3A_158 = arith.constant 80 : index
    %swap3A_159 = tpu.vector_load %arg5[%swap3A_158] {strides = array<i32>} : memref<256xf32, #tpu.memory_space<vmem>>, vector<16xf32>,
    tpu.vector_store %arg5[%swap3A_158], %add3A_157 {strides = array<i32>} : memref<256xf32, #tpu.memory_space<vmem>>, vector<16xf32>,
    %broadcast_in_dim3A_160 = arith.constant true
    %broadcast_in_dim3A_161 = vector.broadcast %broadcast_in_dim3A_160 : i1 to vector<16xi1>
    %masked_cumsum3A_162 = tpu.scan <sum>, %mul3A_152 masked %broadcast_in_dim3A_161 : vector<16xf32>, vector<16xi1> -> vector<16xf32>
    %add3A_163 = vector.broadcast %add3A_146 : f32 to vector<16xf32>
    %add3A_164 = arith.addf %masked_cumsum3A_162, %add3A_163 : vector<16xf32>
    %swap3A_165 = arith.constant 80 : index
    %swap3A_166 = tpu.vector_load %arg6[%swap3A_165] {strides = array<i32>} : memref<256xf32, #tpu.memory_space<vmem>>, vector<16xf32>,
    tpu.vector_store %arg6[%swap3A_165], %add3A_164 {strides = array<i32>} : memref<256xf32, #tpu.memory_space<vmem>>, vector<16xf32>,
    %reduce_sum3A_167 = arith.constant true
    %reduce_sum3A_168 = vector.broadcast %reduce_sum3A_167 : i1 to vector<16xi1>
    %reduce_sum3A_169 = tpu.scan <sum>, %get3A_148 masked %reduce_sum3A_168 : vector<16xf32>, vector<16xi1> -> vector<16xf32>
    %reduce_sum3A_170 = vector.extract %reduce_sum3A_169[15] : f32 from vector<16xf32>
    %add3A_171 = arith.addf %add3A_141, %reduce_sum3A_170 : f32
    %reduce_sum3A_172 = arith.constant true
    %reduce_sum3A_173 = vector.broadcast %reduce_sum3A_172 : i1 to vector<16xi1>
    %reduce_sum3A_174 = tpu.scan <sum>, %mul3A_152 masked %reduce_sum3A_173 : vector<16xf32>, vector<16xi1> -> vector<16xf32>
    %reduce_sum3A_175 = vector.extract %reduce_sum3A_174[15] : f32 from vector<16xf32>
    %add3A_176 = arith.addf %add3A_146, %reduce_sum3A_175 : f32
    %get3A_177 = arith.constant 96 : index
    %get3A_178 = tpu.vector_load %arg4[%get3A_177] {strides = array<i32>} : memref<256xf32, #tpu.memory_space<vmem>>, vector<16xf32>,
    %add3A_179 = arith.constant 9.600000e+01 : f32
    %add3A_180 = vector.broadcast %add3A_179 : f32 to vector<16xf32>
    %add3A_181 = arith.addf %convert_element_type3A, %add3A_180 : vector<16xf32>
    %mul3A_182 = arith.mulf %get3A_178, %add3A_181 : vector<16xf32>
    %broadcast_in_dim3A_183 = arith.constant true
    %broadcast_in_dim3A_184 = vector.broadcast %broadcast_in_dim3A_183 : i1 to vector<16xi1>
    %masked_cumsum3A_185 = tpu.scan <sum>, %get3A_178 masked %broadcast_in_dim3A_184 : vector<16xf32>, vector<16xi1> -> vector<16xf32>
    %add3A_186 = vector.broadcast %add3A_171 : f32 to vector<16xf32>
    %add3A_187 = arith.addf %masked_cumsum3A_185, %add3A_186 : vector<16xf32>
    %swap3A_188 = arith.constant 96 : index
    %swap3A_189 = tpu.vector_load %arg5[%swap3A_188] {strides = array<i32>} : memref<256xf32, #tpu.memory_space<vmem>>, vector<16xf32>,
    tpu.vector_store %arg5[%swap3A_188], %add3A_187 {strides = array<i32>} : memref<256xf32, #tpu.memory_space<vmem>>, vector<16xf32>,
    %broadcast_in_dim3A_190 = arith.constant true
    %broadcast_in_dim3A_191 = vector.broadcast %broadcast_in_dim3A_190 : i1 to vector<16xi1>
    %masked_cumsum3A_192 = tpu.scan <sum>, %mul3A_182 masked %broadcast_in_dim3A_191 : vector<16xf32>, vector<16xi1> -> vector<16xf32>
    %add3A_193 = vector.broadcast %add3A_176 : f32 to vector<16xf32>
    %add3A_194 = arith.addf %masked_cumsum3A_192, %add3A_193 : vector<16xf32>
    %swap3A_195 = arith.constant 96 : index
    %swap3A_196 = tpu.vector_load %arg6[%swap3A_195] {strides = array<i32>} : memref<256xf32, #tpu.memory_space<vmem>>, vector<16xf32>,
    tpu.vector_store %arg6[%swap3A_195], %add3A_194 {strides = array<i32>} : memref<256xf32, #tpu.memory_space<vmem>>, vector<16xf32>,
    %reduce_sum3A_197 = arith.constant true
    %reduce_sum3A_198 = vector.broadcast %reduce_sum3A_197 : i1 to vector<16xi1>
    %reduce_sum3A_199 = tpu.scan <sum>, %get3A_178 masked %reduce_sum3A_198 : vector<16xf32>, vector<16xi1> -> vector<16xf32>
    %reduce_sum3A_200 = vector.extract %reduce_sum3A_199[15] : f32 from vector<16xf32>
    %add3A_201 = arith.addf %add3A_171, %reduce_sum3A_200 : f32
    %reduce_sum3A_202 = arith.constant true
    %reduce_sum3A_203 = vector.broadcast %reduce_sum3A_202 : i1 to vector<16xi1>
    %reduce_sum3A_204 = tpu.scan <sum>, %mul3A_182 masked %reduce_sum3A_203 : vector<16xf32>, vector<16xi1> -> vector<16xf32>
    %reduce_sum3A_205 = vector.extract %reduce_sum3A_204[15] : f32 from vector<16xf32>
    %add3A_206 = arith.addf %add3A_176, %reduce_sum3A_205 : f32
    %get3A_207 = arith.constant 112 : index
    %get3A_208 = tpu.vector_load %arg4[%get3A_207] {strides = array<i32>} : memref<256xf32, #tpu.memory_space<vmem>>, vector<16xf32>,
    %add3A_209 = arith.constant 1.120000e+02 : f32
    %add3A_210 = vector.broadcast %add3A_209 : f32 to vector<16xf32>
    %add3A_211 = arith.addf %convert_element_type3A, %add3A_210 : vector<16xf32>
    %mul3A_212 = arith.mulf %get3A_208, %add3A_211 : vector<16xf32>
    %broadcast_in_dim3A_213 = arith.constant true
    %broadcast_in_dim3A_214 = vector.broadcast %broadcast_in_dim3A_213 : i1 to vector<16xi1>
    %masked_cumsum3A_215 = tpu.scan <sum>, %get3A_208 masked %broadcast_in_dim3A_214 : vector<16xf32>, vector<16xi1> -> vector<16xf32>
    %add3A_216 = vector.broadcast %add3A_201 : f32 to vector<16xf32>
    %add3A_217 = arith.addf %masked_cumsum3A_215, %add3A_216 : vector<16xf32>
    %swap3A_218 = arith.constant 112 : index
    %swap3A_219 = tpu.vector_load %arg5[%swap3A_218] {strides = array<i32>} : memref<256xf32, #tpu.memory_space<vmem>>, vector<16xf32>,
    tpu.vector_store %arg5[%swap3A_218], %add3A_217 {strides = array<i32>} : memref<256xf32, #tpu.memory_space<vmem>>, vector<16xf32>,
    %broadcast_in_dim3A_220 = arith.constant true
    %broadcast_in_dim3A_221 = vector.broadcast %broadcast_in_dim3A_220 : i1 to vector<16xi1>
    %masked_cumsum3A_222 = tpu.scan <sum>, %mul3A_212 masked %broadcast_in_dim3A_221 : vector<16xf32>, vector<16xi1> -> vector<16xf32>
    %add3A_223 = vector.broadcast %add3A_206 : f32 to vector<16xf32>
    %add3A_224 = arith.addf %masked_cumsum3A_222, %add3A_223 : vector<16xf32>
    %swap3A_225 = arith.constant 112 : index
    %swap3A_226 = tpu.vector_load %arg6[%swap3A_225] {strides = array<i32>} : memref<256xf32, #tpu.memory_space<vmem>>, vector<16xf32>,
    tpu.vector_store %arg6[%swap3A_225], %add3A_224 {strides = array<i32>} : memref<256xf32, #tpu.memory_space<vmem>>, vector<16xf32>,
    %reduce_sum3A_227 = arith.constant true
    %reduce_sum3A_228 = vector.broadcast %reduce_sum3A_227 : i1 to vector<16xi1>
    %reduce_sum3A_229 = tpu.scan <sum>, %get3A_208 masked %reduce_sum3A_228 : vector<16xf32>, vector<16xi1> -> vector<16xf32>
    %reduce_sum3A_230 = vector.extract %reduce_sum3A_229[15] : f32 from vector<16xf32>
    %add3A_231 = arith.addf %add3A_201, %reduce_sum3A_230 : f32
    %reduce_sum3A_232 = arith.constant true
    %reduce_sum3A_233 = vector.broadcast %reduce_sum3A_232 : i1 to vector<16xi1>
    %reduce_sum3A_234 = tpu.scan <sum>, %mul3A_212 masked %reduce_sum3A_233 : vector<16xf32>, vector<16xi1> -> vector<16xf32>
    %reduce_sum3A_235 = vector.extract %reduce_sum3A_234[15] : f32 from vector<16xf32>
    %add3A_236 = arith.addf %add3A_206, %reduce_sum3A_235 : f32
    %get3A_237 = arith.constant 128 : index
    %get3A_238 = tpu.vector_load %arg4[%get3A_237] {strides = array<i32>} : memref<256xf32, #tpu.memory_space<vmem>>, vector<16xf32>,
    %add3A_239 = arith.constant 1.280000e+02 : f32
    %add3A_240 = vector.broadcast %add3A_239 : f32 to vector<16xf32>
    %add3A_241 = arith.addf %convert_element_type3A, %add3A_240 : vector<16xf32>
    %mul3A_242 = arith.mulf %get3A_238, %add3A_241 : vector<16xf32>
    %broadcast_in_dim3A_243 = arith.constant true
    %broadcast_in_dim3A_244 = vector.broadcast %broadcast_in_dim3A_243 : i1 to vector<16xi1>
    %masked_cumsum3A_245 = tpu.scan <sum>, %get3A_238 masked %broadcast_in_dim3A_244 : vector<16xf32>, vector<16xi1> -> vector<16xf32>
    %add3A_246 = vector.broadcast %add3A_231 : f32 to vector<16xf32>
    %add3A_247 = arith.addf %masked_cumsum3A_245, %add3A_246 : vector<16xf32>
    %swap3A_248 = arith.constant 128 : index
    %swap3A_249 = tpu.vector_load %arg5[%swap3A_248] {strides = array<i32>} : memref<256xf32, #tpu.memory_space<vmem>>, vector<16xf32>,
    tpu.vector_store %arg5[%swap3A_248], %add3A_247 {strides = array<i32>} : memref<256xf32, #tpu.memory_space<vmem>>, vector<16xf32>,
    %broadcast_in_dim3A_250 = arith.constant true
    %broadcast_in_dim3A_251 = vector.broadcast %broadcast_in_dim3A_250 : i1 to vector<16xi1>
    %masked_cumsum3A_252 = tpu.scan <sum>, %mul3A_242 masked %broadcast_in_dim3A_251 : vector<16xf32>, vector<16xi1> -> vector<16xf32>
    %add3A_253 = vector.broadcast %add3A_236 : f32 to vector<16xf32>
    %add3A_254 = arith.addf %masked_cumsum3A_252, %add3A_253 : vector<16xf32>
    %swap3A_255 = arith.constant 128 : index
    %swap3A_256 = tpu.vector_load %arg6[%swap3A_255] {strides = array<i32>} : memref<256xf32, #tpu.memory_space<vmem>>, vector<16xf32>,
    tpu.vector_store %arg6[%swap3A_255], %add3A_254 {strides = array<i32>} : memref<256xf32, #tpu.memory_space<vmem>>, vector<16xf32>,
    %reduce_sum3A_257 = arith.constant true
    %reduce_sum3A_258 = vector.broadcast %reduce_sum3A_257 : i1 to vector<16xi1>
    %reduce_sum3A_259 = tpu.scan <sum>, %get3A_238 masked %reduce_sum3A_258 : vector<16xf32>, vector<16xi1> -> vector<16xf32>
    %reduce_sum3A_260 = vector.extract %reduce_sum3A_259[15] : f32 from vector<16xf32>
    %add3A_261 = arith.addf %add3A_231, %reduce_sum3A_260 : f32
    %reduce_sum3A_262 = arith.constant true
    %reduce_sum3A_263 = vector.broadcast %reduce_sum3A_262 : i1 to vector<16xi1>
    %reduce_sum3A_264 = tpu.scan <sum>, %mul3A_242 masked %reduce_sum3A_263 : vector<16xf32>, vector<16xi1> -> vector<16xf32>
    %reduce_sum3A_265 = vector.extract %reduce_sum3A_264[15] : f32 from vector<16xf32>
    %add3A_266 = arith.addf %add3A_236, %reduce_sum3A_265 : f32
    %get3A_267 = arith.constant 144 : index
    %get3A_268 = tpu.vector_load %arg4[%get3A_267] {strides = array<i32>} : memref<256xf32, #tpu.memory_space<vmem>>, vector<16xf32>,
    %add3A_269 = arith.constant 1.440000e+02 : f32
    %add3A_270 = vector.broadcast %add3A_269 : f32 to vector<16xf32>
    %add3A_271 = arith.addf %convert_element_type3A, %add3A_270 : vector<16xf32>
    %mul3A_272 = arith.mulf %get3A_268, %add3A_271 : vector<16xf32>
    %broadcast_in_dim3A_273 = arith.constant true
    %broadcast_in_dim3A_274 = vector.broadcast %broadcast_in_dim3A_273 : i1 to vector<16xi1>
    %masked_cumsum3A_275 = tpu.scan <sum>, %get3A_268 masked %broadcast_in_dim3A_274 : vector<16xf32>, vector<16xi1> -> vector<16xf32>
    %add3A_276 = vector.broadcast %add3A_261 : f32 to vector<16xf32>
    %add3A_277 = arith.addf %masked_cumsum3A_275, %add3A_276 : vector<16xf32>
    %swap3A_278 = arith.constant 144 : index
    %swap3A_279 = tpu.vector_load %arg5[%swap3A_278] {strides = array<i32>} : memref<256xf32, #tpu.memory_space<vmem>>, vector<16xf32>,
    tpu.vector_store %arg5[%swap3A_278], %add3A_277 {strides = array<i32>} : memref<256xf32, #tpu.memory_space<vmem>>, vector<16xf32>,
    %broadcast_in_dim3A_280 = arith.constant true
    %broadcast_in_dim3A_281 = vector.broadcast %broadcast_in_dim3A_280 : i1 to vector<16xi1>
    %masked_cumsum3A_282 = tpu.scan <sum>, %mul3A_272 masked %broadcast_in_dim3A_281 : vector<16xf32>, vector<16xi1> -> vector<16xf32>
    %add3A_283 = vector.broadcast %add3A_266 : f32 to vector<16xf32>
    %add3A_284 = arith.addf %masked_cumsum3A_282, %add3A_283 : vector<16xf32>
    %swap3A_285 = arith.constant 144 : index
    %swap3A_286 = tpu.vector_load %arg6[%swap3A_285] {strides = array<i32>} : memref<256xf32, #tpu.memory_space<vmem>>, vector<16xf32>,
    tpu.vector_store %arg6[%swap3A_285], %add3A_284 {strides = array<i32>} : memref<256xf32, #tpu.memory_space<vmem>>, vector<16xf32>,
    %reduce_sum3A_287 = arith.constant true
    %reduce_sum3A_288 = vector.broadcast %reduce_sum3A_287 : i1 to vector<16xi1>
    %reduce_sum3A_289 = tpu.scan <sum>, %get3A_268 masked %reduce_sum3A_288 : vector<16xf32>, vector<16xi1> -> vector<16xf32>
    %reduce_sum3A_290 = vector.extract %reduce_sum3A_289[15] : f32 from vector<16xf32>
    %add3A_291 = arith.addf %add3A_261, %reduce_sum3A_290 : f32
    %reduce_sum3A_292 = arith.constant true
    %reduce_sum3A_293 = vector.broadcast %reduce_sum3A_292 : i1 to vector<16xi1>
    %reduce_sum3A_294 = tpu.scan <sum>, %mul3A_272 masked %reduce_sum3A_293 : vector<16xf32>, vector<16xi1> -> vector<16xf32>
    %reduce_sum3A_295 = vector.extract %reduce_sum3A_294[15] : f32 from vector<16xf32>
    %add3A_296 = arith.addf %add3A_266, %reduce_sum3A_295 : f32
    %get3A_297 = arith.constant 160 : index
    %get3A_298 = tpu.vector_load %arg4[%get3A_297] {strides = array<i32>} : memref<256xf32, #tpu.memory_space<vmem>>, vector<16xf32>,
    %add3A_299 = arith.constant 1.600000e+02 : f32
    %add3A_300 = vector.broadcast %add3A_299 : f32 to vector<16xf32>
    %add3A_301 = arith.addf %convert_element_type3A, %add3A_300 : vector<16xf32>
    %mul3A_302 = arith.mulf %get3A_298, %add3A_301 : vector<16xf32>
    %broadcast_in_dim3A_303 = arith.constant true
    %broadcast_in_dim3A_304 = vector.broadcast %broadcast_in_dim3A_303 : i1 to vector<16xi1>
    %masked_cumsum3A_305 = tpu.scan <sum>, %get3A_298 masked %broadcast_in_dim3A_304 : vector<16xf32>, vector<16xi1> -> vector<16xf32>
    %add3A_306 = vector.broadcast %add3A_291 : f32 to vector<16xf32>
    %add3A_307 = arith.addf %masked_cumsum3A_305, %add3A_306 : vector<16xf32>
    %swap3A_308 = arith.constant 160 : index
    %swap3A_309 = tpu.vector_load %arg5[%swap3A_308] {strides = array<i32>} : memref<256xf32, #tpu.memory_space<vmem>>, vector<16xf32>,
    tpu.vector_store %arg5[%swap3A_308], %add3A_307 {strides = array<i32>} : memref<256xf32, #tpu.memory_space<vmem>>, vector<16xf32>,
    %broadcast_in_dim3A_310 = arith.constant true
    %broadcast_in_dim3A_311 = vector.broadcast %broadcast_in_dim3A_310 : i1 to vector<16xi1>
    %masked_cumsum3A_312 = tpu.scan <sum>, %mul3A_302 masked %broadcast_in_dim3A_311 : vector<16xf32>, vector<16xi1> -> vector<16xf32>
    %add3A_313 = vector.broadcast %add3A_296 : f32 to vector<16xf32>
    %add3A_314 = arith.addf %masked_cumsum3A_312, %add3A_313 : vector<16xf32>
    %swap3A_315 = arith.constant 160 : index
    %swap3A_316 = tpu.vector_load %arg6[%swap3A_315] {strides = array<i32>} : memref<256xf32, #tpu.memory_space<vmem>>, vector<16xf32>,
    tpu.vector_store %arg6[%swap3A_315], %add3A_314 {strides = array<i32>} : memref<256xf32, #tpu.memory_space<vmem>>, vector<16xf32>,
    %reduce_sum3A_317 = arith.constant true
    %reduce_sum3A_318 = vector.broadcast %reduce_sum3A_317 : i1 to vector<16xi1>
    %reduce_sum3A_319 = tpu.scan <sum>, %get3A_298 masked %reduce_sum3A_318 : vector<16xf32>, vector<16xi1> -> vector<16xf32>
    %reduce_sum3A_320 = vector.extract %reduce_sum3A_319[15] : f32 from vector<16xf32>
    %add3A_321 = arith.addf %add3A_291, %reduce_sum3A_320 : f32
    %reduce_sum3A_322 = arith.constant true
    %reduce_sum3A_323 = vector.broadcast %reduce_sum3A_322 : i1 to vector<16xi1>
    %reduce_sum3A_324 = tpu.scan <sum>, %mul3A_302 masked %reduce_sum3A_323 : vector<16xf32>, vector<16xi1> -> vector<16xf32>
    %reduce_sum3A_325 = vector.extract %reduce_sum3A_324[15] : f32 from vector<16xf32>
    %add3A_326 = arith.addf %add3A_296, %reduce_sum3A_325 : f32
    %get3A_327 = arith.constant 176 : index
    %get3A_328 = tpu.vector_load %arg4[%get3A_327] {strides = array<i32>} : memref<256xf32, #tpu.memory_space<vmem>>, vector<16xf32>,
    %add3A_329 = arith.constant 1.760000e+02 : f32
    %add3A_330 = vector.broadcast %add3A_329 : f32 to vector<16xf32>
    %add3A_331 = arith.addf %convert_element_type3A, %add3A_330 : vector<16xf32>
    %mul3A_332 = arith.mulf %get3A_328, %add3A_331 : vector<16xf32>
    %broadcast_in_dim3A_333 = arith.constant true
    %broadcast_in_dim3A_334 = vector.broadcast %broadcast_in_dim3A_333 : i1 to vector<16xi1>
    %masked_cumsum3A_335 = tpu.scan <sum>, %get3A_328 masked %broadcast_in_dim3A_334 : vector<16xf32>, vector<16xi1> -> vector<16xf32>
    %add3A_336 = vector.broadcast %add3A_321 : f32 to vector<16xf32>
    %add3A_337 = arith.addf %masked_cumsum3A_335, %add3A_336 : vector<16xf32>
    %swap3A_338 = arith.constant 176 : index
    %swap3A_339 = tpu.vector_load %arg5[%swap3A_338] {strides = array<i32>} : memref<256xf32, #tpu.memory_space<vmem>>, vector<16xf32>,
    tpu.vector_store %arg5[%swap3A_338], %add3A_337 {strides = array<i32>} : memref<256xf32, #tpu.memory_space<vmem>>, vector<16xf32>,
    %broadcast_in_dim3A_340 = arith.constant true
    %broadcast_in_dim3A_341 = vector.broadcast %broadcast_in_dim3A_340 : i1 to vector<16xi1>
    %masked_cumsum3A_342 = tpu.scan <sum>, %mul3A_332 masked %broadcast_in_dim3A_341 : vector<16xf32>, vector<16xi1> -> vector<16xf32>
    %add3A_343 = vector.broadcast %add3A_326 : f32 to vector<16xf32>
    %add3A_344 = arith.addf %masked_cumsum3A_342, %add3A_343 : vector<16xf32>
    %swap3A_345 = arith.constant 176 : index
    %swap3A_346 = tpu.vector_load %arg6[%swap3A_345] {strides = array<i32>} : memref<256xf32, #tpu.memory_space<vmem>>, vector<16xf32>,
    tpu.vector_store %arg6[%swap3A_345], %add3A_344 {strides = array<i32>} : memref<256xf32, #tpu.memory_space<vmem>>, vector<16xf32>,
    %reduce_sum3A_347 = arith.constant true
    %reduce_sum3A_348 = vector.broadcast %reduce_sum3A_347 : i1 to vector<16xi1>
    %reduce_sum3A_349 = tpu.scan <sum>, %get3A_328 masked %reduce_sum3A_348 : vector<16xf32>, vector<16xi1> -> vector<16xf32>
    %reduce_sum3A_350 = vector.extract %reduce_sum3A_349[15] : f32 from vector<16xf32>
    %add3A_351 = arith.addf %add3A_321, %reduce_sum3A_350 : f32
    %reduce_sum3A_352 = arith.constant true
    %reduce_sum3A_353 = vector.broadcast %reduce_sum3A_352 : i1 to vector<16xi1>
    %reduce_sum3A_354 = tpu.scan <sum>, %mul3A_332 masked %reduce_sum3A_353 : vector<16xf32>, vector<16xi1> -> vector<16xf32>
    %reduce_sum3A_355 = vector.extract %reduce_sum3A_354[15] : f32 from vector<16xf32>
    %add3A_356 = arith.addf %add3A_326, %reduce_sum3A_355 : f32
    %get3A_357 = arith.constant 192 : index
    %get3A_358 = tpu.vector_load %arg4[%get3A_357] {strides = array<i32>} : memref<256xf32, #tpu.memory_space<vmem>>, vector<16xf32>,
    %add3A_359 = arith.constant 1.920000e+02 : f32
    %add3A_360 = vector.broadcast %add3A_359 : f32 to vector<16xf32>
    %add3A_361 = arith.addf %convert_element_type3A, %add3A_360 : vector<16xf32>
    %mul3A_362 = arith.mulf %get3A_358, %add3A_361 : vector<16xf32>
    %broadcast_in_dim3A_363 = arith.constant true
    %broadcast_in_dim3A_364 = vector.broadcast %broadcast_in_dim3A_363 : i1 to vector<16xi1>
    %masked_cumsum3A_365 = tpu.scan <sum>, %get3A_358 masked %broadcast_in_dim3A_364 : vector<16xf32>, vector<16xi1> -> vector<16xf32>
    %add3A_366 = vector.broadcast %add3A_351 : f32 to vector<16xf32>
    %add3A_367 = arith.addf %masked_cumsum3A_365, %add3A_366 : vector<16xf32>
    %swap3A_368 = arith.constant 192 : index
    %swap3A_369 = tpu.vector_load %arg5[%swap3A_368] {strides = array<i32>} : memref<256xf32, #tpu.memory_space<vmem>>, vector<16xf32>,
    tpu.vector_store %arg5[%swap3A_368], %add3A_367 {strides = array<i32>} : memref<256xf32, #tpu.memory_space<vmem>>, vector<16xf32>,
    %broadcast_in_dim3A_370 = arith.constant true
    %broadcast_in_dim3A_371 = vector.broadcast %broadcast_in_dim3A_370 : i1 to vector<16xi1>
    %masked_cumsum3A_372 = tpu.scan <sum>, %mul3A_362 masked %broadcast_in_dim3A_371 : vector<16xf32>, vector<16xi1> -> vector<16xf32>
    %add3A_373 = vector.broadcast %add3A_356 : f32 to vector<16xf32>
    %add3A_374 = arith.addf %masked_cumsum3A_372, %add3A_373 : vector<16xf32>
    %swap3A_375 = arith.constant 192 : index
    %swap3A_376 = tpu.vector_load %arg6[%swap3A_375] {strides = array<i32>} : memref<256xf32, #tpu.memory_space<vmem>>, vector<16xf32>,
    tpu.vector_store %arg6[%swap3A_375], %add3A_374 {strides = array<i32>} : memref<256xf32, #tpu.memory_space<vmem>>, vector<16xf32>,
    %reduce_sum3A_377 = arith.constant true
    %reduce_sum3A_378 = vector.broadcast %reduce_sum3A_377 : i1 to vector<16xi1>
    %reduce_sum3A_379 = tpu.scan <sum>, %get3A_358 masked %reduce_sum3A_378 : vector<16xf32>, vector<16xi1> -> vector<16xf32>
    %reduce_sum3A_380 = vector.extract %reduce_sum3A_379[15] : f32 from vector<16xf32>
    %add3A_381 = arith.addf %add3A_351, %reduce_sum3A_380 : f32
    %reduce_sum3A_382 = arith.constant true
    %reduce_sum3A_383 = vector.broadcast %reduce_sum3A_382 : i1 to vector<16xi1>
    %reduce_sum3A_384 = tpu.scan <sum>, %mul3A_362 masked %reduce_sum3A_383 : vector<16xf32>, vector<16xi1> -> vector<16xf32>
    %reduce_sum3A_385 = vector.extract %reduce_sum3A_384[15] : f32 from vector<16xf32>
    %add3A_386 = arith.addf %add3A_356, %reduce_sum3A_385 : f32
    %get3A_387 = arith.constant 208 : index
    %get3A_388 = tpu.vector_load %arg4[%get3A_387] {strides = array<i32>} : memref<256xf32, #tpu.memory_space<vmem>>, vector<16xf32>,
    %add3A_389 = arith.constant 2.080000e+02 : f32
    %add3A_390 = vector.broadcast %add3A_389 : f32 to vector<16xf32>
    %add3A_391 = arith.addf %convert_element_type3A, %add3A_390 : vector<16xf32>
    %mul3A_392 = arith.mulf %get3A_388, %add3A_391 : vector<16xf32>
    %broadcast_in_dim3A_393 = arith.constant true
    %broadcast_in_dim3A_394 = vector.broadcast %broadcast_in_dim3A_393 : i1 to vector<16xi1>
    %masked_cumsum3A_395 = tpu.scan <sum>, %get3A_388 masked %broadcast_in_dim3A_394 : vector<16xf32>, vector<16xi1> -> vector<16xf32>
    %add3A_396 = vector.broadcast %add3A_381 : f32 to vector<16xf32>
    %add3A_397 = arith.addf %masked_cumsum3A_395, %add3A_396 : vector<16xf32>
    %swap3A_398 = arith.constant 208 : index
    %swap3A_399 = tpu.vector_load %arg5[%swap3A_398] {strides = array<i32>} : memref<256xf32, #tpu.memory_space<vmem>>, vector<16xf32>,
    tpu.vector_store %arg5[%swap3A_398], %add3A_397 {strides = array<i32>} : memref<256xf32, #tpu.memory_space<vmem>>, vector<16xf32>,
    %broadcast_in_dim3A_400 = arith.constant true
    %broadcast_in_dim3A_401 = vector.broadcast %broadcast_in_dim3A_400 : i1 to vector<16xi1>
    %masked_cumsum3A_402 = tpu.scan <sum>, %mul3A_392 masked %broadcast_in_dim3A_401 : vector<16xf32>, vector<16xi1> -> vector<16xf32>
    %add3A_403 = vector.broadcast %add3A_386 : f32 to vector<16xf32>
    %add3A_404 = arith.addf %masked_cumsum3A_402, %add3A_403 : vector<16xf32>
    %swap3A_405 = arith.constant 208 : index
    %swap3A_406 = tpu.vector_load %arg6[%swap3A_405] {strides = array<i32>} : memref<256xf32, #tpu.memory_space<vmem>>, vector<16xf32>,
    tpu.vector_store %arg6[%swap3A_405], %add3A_404 {strides = array<i32>} : memref<256xf32, #tpu.memory_space<vmem>>, vector<16xf32>,
    %reduce_sum3A_407 = arith.constant true
    %reduce_sum3A_408 = vector.broadcast %reduce_sum3A_407 : i1 to vector<16xi1>
    %reduce_sum3A_409 = tpu.scan <sum>, %get3A_388 masked %reduce_sum3A_408 : vector<16xf32>, vector<16xi1> -> vector<16xf32>
    %reduce_sum3A_410 = vector.extract %reduce_sum3A_409[15] : f32 from vector<16xf32>
    %add3A_411 = arith.addf %add3A_381, %reduce_sum3A_410 : f32
    %reduce_sum3A_412 = arith.constant true
    %reduce_sum3A_413 = vector.broadcast %reduce_sum3A_412 : i1 to vector<16xi1>
    %reduce_sum3A_414 = tpu.scan <sum>, %mul3A_392 masked %reduce_sum3A_413 : vector<16xf32>, vector<16xi1> -> vector<16xf32>
    %reduce_sum3A_415 = vector.extract %reduce_sum3A_414[15] : f32 from vector<16xf32>
    %add3A_416 = arith.addf %add3A_386, %reduce_sum3A_415 : f32
    %get3A_417 = arith.constant 224 : index
    %get3A_418 = tpu.vector_load %arg4[%get3A_417] {strides = array<i32>} : memref<256xf32, #tpu.memory_space<vmem>>, vector<16xf32>,
    %add3A_419 = arith.constant 2.240000e+02 : f32
    %add3A_420 = vector.broadcast %add3A_419 : f32 to vector<16xf32>
    %add3A_421 = arith.addf %convert_element_type3A, %add3A_420 : vector<16xf32>
    %mul3A_422 = arith.mulf %get3A_418, %add3A_421 : vector<16xf32>
    %broadcast_in_dim3A_423 = arith.constant true
    %broadcast_in_dim3A_424 = vector.broadcast %broadcast_in_dim3A_423 : i1 to vector<16xi1>
    %masked_cumsum3A_425 = tpu.scan <sum>, %get3A_418 masked %broadcast_in_dim3A_424 : vector<16xf32>, vector<16xi1> -> vector<16xf32>
    %add3A_426 = vector.broadcast %add3A_411 : f32 to vector<16xf32>
    %add3A_427 = arith.addf %masked_cumsum3A_425, %add3A_426 : vector<16xf32>
    %swap3A_428 = arith.constant 224 : index
    %swap3A_429 = tpu.vector_load %arg5[%swap3A_428] {strides = array<i32>} : memref<256xf32, #tpu.memory_space<vmem>>, vector<16xf32>,
    tpu.vector_store %arg5[%swap3A_428], %add3A_427 {strides = array<i32>} : memref<256xf32, #tpu.memory_space<vmem>>, vector<16xf32>,
    %broadcast_in_dim3A_430 = arith.constant true
    %broadcast_in_dim3A_431 = vector.broadcast %broadcast_in_dim3A_430 : i1 to vector<16xi1>
    %masked_cumsum3A_432 = tpu.scan <sum>, %mul3A_422 masked %broadcast_in_dim3A_431 : vector<16xf32>, vector<16xi1> -> vector<16xf32>
    %add3A_433 = vector.broadcast %add3A_416 : f32 to vector<16xf32>
    %add3A_434 = arith.addf %masked_cumsum3A_432, %add3A_433 : vector<16xf32>
    %swap3A_435 = arith.constant 224 : index
    %swap3A_436 = tpu.vector_load %arg6[%swap3A_435] {strides = array<i32>} : memref<256xf32, #tpu.memory_space<vmem>>, vector<16xf32>,
    tpu.vector_store %arg6[%swap3A_435], %add3A_434 {strides = array<i32>} : memref<256xf32, #tpu.memory_space<vmem>>, vector<16xf32>,
    %reduce_sum3A_437 = arith.constant true
    %reduce_sum3A_438 = vector.broadcast %reduce_sum3A_437 : i1 to vector<16xi1>
    %reduce_sum3A_439 = tpu.scan <sum>, %get3A_418 masked %reduce_sum3A_438 : vector<16xf32>, vector<16xi1> -> vector<16xf32>
    %reduce_sum3A_440 = vector.extract %reduce_sum3A_439[15] : f32 from vector<16xf32>
    %add3A_441 = arith.addf %add3A_411, %reduce_sum3A_440 : f32
    %reduce_sum3A_442 = arith.constant true
    %reduce_sum3A_443 = vector.broadcast %reduce_sum3A_442 : i1 to vector<16xi1>
    %reduce_sum3A_444 = tpu.scan <sum>, %mul3A_422 masked %reduce_sum3A_443 : vector<16xf32>, vector<16xi1> -> vector<16xf32>
    %reduce_sum3A_445 = vector.extract %reduce_sum3A_444[15] : f32 from vector<16xf32>
    %add3A_446 = arith.addf %add3A_416, %reduce_sum3A_445 : f32
    %get3A_447 = arith.constant 240 : index
    %get3A_448 = tpu.vector_load %arg4[%get3A_447] {strides = array<i32>} : memref<256xf32, #tpu.memory_space<vmem>>, vector<16xf32>,
    %add3A_449 = arith.constant 2.400000e+02 : f32
    %add3A_450 = vector.broadcast %add3A_449 : f32 to vector<16xf32>
    %add3A_451 = arith.addf %convert_element_type3A, %add3A_450 : vector<16xf32>
    %mul3A_452 = arith.mulf %get3A_448, %add3A_451 : vector<16xf32>
    %broadcast_in_dim3A_453 = arith.constant true
    %broadcast_in_dim3A_454 = vector.broadcast %broadcast_in_dim3A_453 : i1 to vector<16xi1>
    %masked_cumsum3A_455 = tpu.scan <sum>, %get3A_448 masked %broadcast_in_dim3A_454 : vector<16xf32>, vector<16xi1> -> vector<16xf32>
    %add3A_456 = vector.broadcast %add3A_441 : f32 to vector<16xf32>
    %add3A_457 = arith.addf %masked_cumsum3A_455, %add3A_456 : vector<16xf32>
    %swap3A_458 = arith.constant 240 : index
    %swap3A_459 = tpu.vector_load %arg5[%swap3A_458] {strides = array<i32>} : memref<256xf32, #tpu.memory_space<vmem>>, vector<16xf32>,
    tpu.vector_store %arg5[%swap3A_458], %add3A_457 {strides = array<i32>} : memref<256xf32, #tpu.memory_space<vmem>>, vector<16xf32>,
    %broadcast_in_dim3A_460 = arith.constant true
    %broadcast_in_dim3A_461 = vector.broadcast %broadcast_in_dim3A_460 : i1 to vector<16xi1>
    %masked_cumsum3A_462 = tpu.scan <sum>, %mul3A_452 masked %broadcast_in_dim3A_461 : vector<16xf32>, vector<16xi1> -> vector<16xf32>
    %add3A_463 = vector.broadcast %add3A_446 : f32 to vector<16xf32>
    %add3A_464 = arith.addf %masked_cumsum3A_462, %add3A_463 : vector<16xf32>
    %swap3A_465 = arith.constant 240 : index
    %swap3A_466 = tpu.vector_load %arg6[%swap3A_465] {strides = array<i32>} : memref<256xf32, #tpu.memory_space<vmem>>, vector<16xf32>,
    tpu.vector_store %arg6[%swap3A_465], %add3A_464 {strides = array<i32>} : memref<256xf32, #tpu.memory_space<vmem>>, vector<16xf32>,
    %reduce_sum3A_467 = arith.constant true
    %reduce_sum3A_468 = vector.broadcast %reduce_sum3A_467 : i1 to vector<16xi1>
    %reduce_sum3A_469 = tpu.scan <sum>, %get3A_448 masked %reduce_sum3A_468 : vector<16xf32>, vector<16xi1> -> vector<16xf32>
    %reduce_sum3A_470 = vector.extract %reduce_sum3A_469[15] : f32 from vector<16xf32>
    %add3A_471 = arith.addf %add3A_441, %reduce_sum3A_470 : f32
    %reduce_sum3A_472 = arith.constant true
    %reduce_sum3A_473 = vector.broadcast %reduce_sum3A_472 : i1 to vector<16xi1>
    %reduce_sum3A_474 = tpu.scan <sum>, %mul3A_452 masked %reduce_sum3A_473 : vector<16xf32>, vector<16xi1> -> vector<16xf32>
    %reduce_sum3A_475 = vector.extract %reduce_sum3A_474[15] : f32 from vector<16xf32>
    %add3A_476 = arith.addf %add3A_446, %reduce_sum3A_475 : f32
    %get3A_477 = arith.constant 0 : index
    %get3A_478 = tpu.vector_load %arg5[%get3A_477] {strides = array<i32>} : memref<256xf32, #tpu.memory_space<vmem>>, vector<16xf32>,
    %get3A_479 = arith.constant 0 : index
    %get3A_480 = tpu.vector_load %arg6[%get3A_479] {strides = array<i32>} : memref<256xf32, #tpu.memory_space<vmem>>, vector<16xf32>,
    %sub3A = vector.broadcast %add3A_471 : f32 to vector<16xf32>
    %sub3A_481 = arith.subf %sub3A, %get3A_478 : vector<16xf32>
    %swap3A_482 = arith.constant 0 : index
    %swap3A_483 = tpu.vector_load %arg7[%swap3A_482] {strides = array<i32>} : memref<256xf32, #tpu.memory_space<vmem>>, vector<16xf32>,
    tpu.vector_store %arg7[%swap3A_482], %sub3A_481 {strides = array<i32>} : memref<256xf32, #tpu.memory_space<vmem>>, vector<16xf32>,
    %sub3A_484 = vector.broadcast %add3A_476 : f32 to vector<16xf32>
    %sub3A_485 = arith.subf %sub3A_484, %get3A_480 : vector<16xf32>
    %div3A = arith.divf %sub3A_485, %sub3A_481 : vector<16xf32>
    %swap3A_486 = arith.constant 0 : index
    %swap3A_487 = tpu.vector_load %arg8[%swap3A_486] {strides = array<i32>} : memref<256xf32, #tpu.memory_space<vmem>>, vector<16xf32>,
    tpu.vector_store %arg8[%swap3A_486], %div3A {strides = array<i32>} : memref<256xf32, #tpu.memory_space<vmem>>, vector<16xf32>,
    %get3A_488 = arith.constant 16 : index
    %get3A_489 = tpu.vector_load %arg5[%get3A_488] {strides = array<i32>} : memref<256xf32, #tpu.memory_space<vmem>>, vector<16xf32>,
    %get3A_490 = arith.constant 16 : index
    %get3A_491 = tpu.vector_load %arg6[%get3A_490] {strides = array<i32>} : memref<256xf32, #tpu.memory_space<vmem>>, vector<16xf32>,
    %sub3A_492 = vector.broadcast %add3A_471 : f32 to vector<16xf32>
    %sub3A_493 = arith.subf %sub3A_492, %get3A_489 : vector<16xf32>
    %swap3A_494 = arith.constant 16 : index
    %swap3A_495 = tpu.vector_load %arg7[%swap3A_494] {strides = array<i32>} : memref<256xf32, #tpu.memory_space<vmem>>, vector<16xf32>,
    tpu.vector_store %arg7[%swap3A_494], %sub3A_493 {strides = array<i32>} : memref<256xf32, #tpu.memory_space<vmem>>, vector<16xf32>,
    %sub3A_496 = vector.broadcast %add3A_476 : f32 to vector<16xf32>
    %sub3A_497 = arith.subf %sub3A_496, %get3A_491 : vector<16xf32>
    %div3A_498 = arith.divf %sub3A_497, %sub3A_493 : vector<16xf32>
    %swap3A_499 = arith.constant 16 : index
    %swap3A_500 = tpu.vector_load %arg8[%swap3A_499] {strides = array<i32>} : memref<256xf32, #tpu.memory_space<vmem>>, vector<16xf32>,
    tpu.vector_store %arg8[%swap3A_499], %div3A_498 {strides = array<i32>} : memref<256xf32, #tpu.memory_space<vmem>>, vector<16xf32>,
    %get3A_501 = arith.constant 32 : index
    %get3A_502 = tpu.vector_load %arg5[%get3A_501] {strides = array<i32>} : memref<256xf32, #tpu.memory_space<vmem>>, vector<16xf32>,
    %get3A_503 = arith.constant 32 : index
    %get3A_504 = tpu.vector_load %arg6[%get3A_503] {strides = array<i32>} : memref<256xf32, #tpu.memory_space<vmem>>, vector<16xf32>,
    %sub3A_505 = vector.broadcast %add3A_471 : f32 to vector<16xf32>
    %sub3A_506 = arith.subf %sub3A_505, %get3A_502 : vector<16xf32>
    %swap3A_507 = arith.constant 32 : index
    %swap3A_508 = tpu.vector_load %arg7[%swap3A_507] {strides = array<i32>} : memref<256xf32, #tpu.memory_space<vmem>>, vector<16xf32>,
    tpu.vector_store %arg7[%swap3A_507], %sub3A_506 {strides = array<i32>} : memref<256xf32, #tpu.memory_space<vmem>>, vector<16xf32>,
    %sub3A_509 = vector.broadcast %add3A_476 : f32 to vector<16xf32>
    %sub3A_510 = arith.subf %sub3A_509, %get3A_504 : vector<16xf32>
    %div3A_511 = arith.divf %sub3A_510, %sub3A_506 : vector<16xf32>
    %swap3A_512 = arith.constant 32 : index
    %swap3A_513 = tpu.vector_load %arg8[%swap3A_512] {strides = array<i32>} : memref<256xf32, #tpu.memory_space<vmem>>, vector<16xf32>,
    tpu.vector_store %arg8[%swap3A_512], %div3A_511 {strides = array<i32>} : memref<256xf32, #tpu.memory_space<vmem>>, vector<16xf32>,
    %get3A_514 = arith.constant 48 : index
    %get3A_515 = tpu.vector_load %arg5[%get3A_514] {strides = array<i32>} : memref<256xf32, #tpu.memory_space<vmem>>, vector<16xf32>,
    %get3A_516 = arith.constant 48 : index
    %get3A_517 = tpu.vector_load %arg6[%get3A_516] {strides = array<i32>} : memref<256xf32, #tpu.memory_space<vmem>>, vector<16xf32>,
    %sub3A_518 = vector.broadcast %add3A_471 : f32 to vector<16xf32>
    %sub3A_519 = arith.subf %sub3A_518, %get3A_515 : vector<16xf32>
    %swap3A_520 = arith.constant 48 : index
    %swap3A_521 = tpu.vector_load %arg7[%swap3A_520] {strides = array<i32>} : memref<256xf32, #tpu.memory_space<vmem>>, vector<16xf32>,
    tpu.vector_store %arg7[%swap3A_520], %sub3A_519 {strides = array<i32>} : memref<256xf32, #tpu.memory_space<vmem>>, vector<16xf32>,
    %sub3A_522 = vector.broadcast %add3A_476 : f32 to vector<16xf32>
    %sub3A_523 = arith.subf %sub3A_522, %get3A_517 : vector<16xf32>
    %div3A_524 = arith.divf %sub3A_523, %sub3A_519 : vector<16xf32>
    %swap3A_525 = arith.constant 48 : index
    %swap3A_526 = tpu.vector_load %arg8[%swap3A_525] {strides = array<i32>} : memref<256xf32, #tpu.memory_space<vmem>>, vector<16xf32>,
    tpu.vector_store %arg8[%swap3A_525], %div3A_524 {strides = array<i32>} : memref<256xf32, #tpu.memory_space<vmem>>, vector<16xf32>,
    %get3A_527 = arith.constant 64 : index
    %get3A_528 = tpu.vector_load %arg5[%get3A_527] {strides = array<i32>} : memref<256xf32, #tpu.memory_space<vmem>>, vector<16xf32>,
    %get3A_529 = arith.constant 64 : index
    %get3A_530 = tpu.vector_load %arg6[%get3A_529] {strides = array<i32>} : memref<256xf32, #tpu.memory_space<vmem>>, vector<16xf32>,
    %sub3A_531 = vector.broadcast %add3A_471 : f32 to vector<16xf32>
    %sub3A_532 = arith.subf %sub3A_531, %get3A_528 : vector<16xf32>
    %swap3A_533 = arith.constant 64 : index
    %swap3A_534 = tpu.vector_load %arg7[%swap3A_533] {strides = array<i32>} : memref<256xf32, #tpu.memory_space<vmem>>, vector<16xf32>,
    tpu.vector_store %arg7[%swap3A_533], %sub3A_532 {strides = array<i32>} : memref<256xf32, #tpu.memory_space<vmem>>, vector<16xf32>,
    %sub3A_535 = vector.broadcast %add3A_476 : f32 to vector<16xf32>
    %sub3A_536 = arith.subf %sub3A_535, %get3A_530 : vector<16xf32>
    %div3A_537 = arith.divf %sub3A_536, %sub3A_532 : vector<16xf32>
    %swap3A_538 = arith.constant 64 : index
    %swap3A_539 = tpu.vector_load %arg8[%swap3A_538] {strides = array<i32>} : memref<256xf32, #tpu.memory_space<vmem>>, vector<16xf32>,
    tpu.vector_store %arg8[%swap3A_538], %div3A_537 {strides = array<i32>} : memref<256xf32, #tpu.memory_space<vmem>>, vector<16xf32>,
    %get3A_540 = arith.constant 80 : index
    %get3A_541 = tpu.vector_load %arg5[%get3A_540] {strides = array<i32>} : memref<256xf32, #tpu.memory_space<vmem>>, vector<16xf32>,
    %get3A_542 = arith.constant 80 : index
    %get3A_543 = tpu.vector_load %arg6[%get3A_542] {strides = array<i32>} : memref<256xf32, #tpu.memory_space<vmem>>, vector<16xf32>,
    %sub3A_544 = vector.broadcast %add3A_471 : f32 to vector<16xf32>
    %sub3A_545 = arith.subf %sub3A_544, %get3A_541 : vector<16xf32>
    %swap3A_546 = arith.constant 80 : index
    %swap3A_547 = tpu.vector_load %arg7[%swap3A_546] {strides = array<i32>} : memref<256xf32, #tpu.memory_space<vmem>>, vector<16xf32>,
    tpu.vector_store %arg7[%swap3A_546], %sub3A_545 {strides = array<i32>} : memref<256xf32, #tpu.memory_space<vmem>>, vector<16xf32>,
    %sub3A_548 = vector.broadcast %add3A_476 : f32 to vector<16xf32>
    %sub3A_549 = arith.subf %sub3A_548, %get3A_543 : vector<16xf32>
    %div3A_550 = arith.divf %sub3A_549, %sub3A_545 : vector<16xf32>
    %swap3A_551 = arith.constant 80 : index
    %swap3A_552 = tpu.vector_load %arg8[%swap3A_551] {strides = array<i32>} : memref<256xf32, #tpu.memory_space<vmem>>, vector<16xf32>,
    tpu.vector_store %arg8[%swap3A_551], %div3A_550 {strides = array<i32>} : memref<256xf32, #tpu.memory_space<vmem>>, vector<16xf32>,
    %get3A_553 = arith.constant 96 : index
    %get3A_554 = tpu.vector_load %arg5[%get3A_553] {strides = array<i32>} : memref<256xf32, #tpu.memory_space<vmem>>, vector<16xf32>,
    %get3A_555 = arith.constant 96 : index
    %get3A_556 = tpu.vector_load %arg6[%get3A_555] {strides = array<i32>} : memref<256xf32, #tpu.memory_space<vmem>>, vector<16xf32>,
    %sub3A_557 = vector.broadcast %add3A_471 : f32 to vector<16xf32>
    %sub3A_558 = arith.subf %sub3A_557, %get3A_554 : vector<16xf32>
    %swap3A_559 = arith.constant 96 : index
    %swap3A_560 = tpu.vector_load %arg7[%swap3A_559] {strides = array<i32>} : memref<256xf32, #tpu.memory_space<vmem>>, vector<16xf32>,
    tpu.vector_store %arg7[%swap3A_559], %sub3A_558 {strides = array<i32>} : memref<256xf32, #tpu.memory_space<vmem>>, vector<16xf32>,
    %sub3A_561 = vector.broadcast %add3A_476 : f32 to vector<16xf32>
    %sub3A_562 = arith.subf %sub3A_561, %get3A_556 : vector<16xf32>
    %div3A_563 = arith.divf %sub3A_562, %sub3A_558 : vector<16xf32>
    %swap3A_564 = arith.constant 96 : index
    %swap3A_565 = tpu.vector_load %arg8[%swap3A_564] {strides = array<i32>} : memref<256xf32, #tpu.memory_space<vmem>>, vector<16xf32>,
    tpu.vector_store %arg8[%swap3A_564], %div3A_563 {strides = array<i32>} : memref<256xf32, #tpu.memory_space<vmem>>, vector<16xf32>,
    %get3A_566 = arith.constant 112 : index
    %get3A_567 = tpu.vector_load %arg5[%get3A_566] {strides = array<i32>} : memref<256xf32, #tpu.memory_space<vmem>>, vector<16xf32>,
    %get3A_568 = arith.constant 112 : index
    %get3A_569 = tpu.vector_load %arg6[%get3A_568] {strides = array<i32>} : memref<256xf32, #tpu.memory_space<vmem>>, vector<16xf32>,
    %sub3A_570 = vector.broadcast %add3A_471 : f32 to vector<16xf32>
    %sub3A_571 = arith.subf %sub3A_570, %get3A_567 : vector<16xf32>
    %swap3A_572 = arith.constant 112 : index
    %swap3A_573 = tpu.vector_load %arg7[%swap3A_572] {strides = array<i32>} : memref<256xf32, #tpu.memory_space<vmem>>, vector<16xf32>,
    tpu.vector_store %arg7[%swap3A_572], %sub3A_571 {strides = array<i32>} : memref<256xf32, #tpu.memory_space<vmem>>, vector<16xf32>,
    %sub3A_574 = vector.broadcast %add3A_476 : f32 to vector<16xf32>
    %sub3A_575 = arith.subf %sub3A_574, %get3A_569 : vector<16xf32>
    %div3A_576 = arith.divf %sub3A_575, %sub3A_571 : vector<16xf32>
    %swap3A_577 = arith.constant 112 : index
    %swap3A_578 = tpu.vector_load %arg8[%swap3A_577] {strides = array<i32>} : memref<256xf32, #tpu.memory_space<vmem>>, vector<16xf32>,
    tpu.vector_store %arg8[%swap3A_577], %div3A_576 {strides = array<i32>} : memref<256xf32, #tpu.memory_space<vmem>>, vector<16xf32>,
    %get3A_579 = arith.constant 128 : index
    %get3A_580 = tpu.vector_load %arg5[%get3A_579] {strides = array<i32>} : memref<256xf32, #tpu.memory_space<vmem>>, vector<16xf32>,
    %get3A_581 = arith.constant 128 : index
    %get3A_582 = tpu.vector_load %arg6[%get3A_581] {strides = array<i32>} : memref<256xf32, #tpu.memory_space<vmem>>, vector<16xf32>,
    %sub3A_583 = vector.broadcast %add3A_471 : f32 to vector<16xf32>
    %sub3A_584 = arith.subf %sub3A_583, %get3A_580 : vector<16xf32>
    %swap3A_585 = arith.constant 128 : index
    %swap3A_586 = tpu.vector_load %arg7[%swap3A_585] {strides = array<i32>} : memref<256xf32, #tpu.memory_space<vmem>>, vector<16xf32>,
    tpu.vector_store %arg7[%swap3A_585], %sub3A_584 {strides = array<i32>} : memref<256xf32, #tpu.memory_space<vmem>>, vector<16xf32>,
    %sub3A_587 = vector.broadcast %add3A_476 : f32 to vector<16xf32>
    %sub3A_588 = arith.subf %sub3A_587, %get3A_582 : vector<16xf32>
    %div3A_589 = arith.divf %sub3A_588, %sub3A_584 : vector<16xf32>
    %swap3A_590 = arith.constant 128 : index
    %swap3A_591 = tpu.vector_load %arg8[%swap3A_590] {strides = array<i32>} : memref<256xf32, #tpu.memory_space<vmem>>, vector<16xf32>,
    tpu.vector_store %arg8[%swap3A_590], %div3A_589 {strides = array<i32>} : memref<256xf32, #tpu.memory_space<vmem>>, vector<16xf32>,
    %get3A_592 = arith.constant 144 : index
    %get3A_593 = tpu.vector_load %arg5[%get3A_592] {strides = array<i32>} : memref<256xf32, #tpu.memory_space<vmem>>, vector<16xf32>,
    %get3A_594 = arith.constant 144 : index
    %get3A_595 = tpu.vector_load %arg6[%get3A_594] {strides = array<i32>} : memref<256xf32, #tpu.memory_space<vmem>>, vector<16xf32>,
    %sub3A_596 = vector.broadcast %add3A_471 : f32 to vector<16xf32>
    %sub3A_597 = arith.subf %sub3A_596, %get3A_593 : vector<16xf32>
    %swap3A_598 = arith.constant 144 : index
    %swap3A_599 = tpu.vector_load %arg7[%swap3A_598] {strides = array<i32>} : memref<256xf32, #tpu.memory_space<vmem>>, vector<16xf32>,
    tpu.vector_store %arg7[%swap3A_598], %sub3A_597 {strides = array<i32>} : memref<256xf32, #tpu.memory_space<vmem>>, vector<16xf32>,
    %sub3A_600 = vector.broadcast %add3A_476 : f32 to vector<16xf32>
    %sub3A_601 = arith.subf %sub3A_600, %get3A_595 : vector<16xf32>
    %div3A_602 = arith.divf %sub3A_601, %sub3A_597 : vector<16xf32>
    %swap3A_603 = arith.constant 144 : index
    %swap3A_604 = tpu.vector_load %arg8[%swap3A_603] {strides = array<i32>} : memref<256xf32, #tpu.memory_space<vmem>>, vector<16xf32>,
    tpu.vector_store %arg8[%swap3A_603], %div3A_602 {strides = array<i32>} : memref<256xf32, #tpu.memory_space<vmem>>, vector<16xf32>,
    %get3A_605 = arith.constant 160 : index
    %get3A_606 = tpu.vector_load %arg5[%get3A_605] {strides = array<i32>} : memref<256xf32, #tpu.memory_space<vmem>>, vector<16xf32>,
    %get3A_607 = arith.constant 160 : index
    %get3A_608 = tpu.vector_load %arg6[%get3A_607] {strides = array<i32>} : memref<256xf32, #tpu.memory_space<vmem>>, vector<16xf32>,
    %sub3A_609 = vector.broadcast %add3A_471 : f32 to vector<16xf32>
    %sub3A_610 = arith.subf %sub3A_609, %get3A_606 : vector<16xf32>
    %swap3A_611 = arith.constant 160 : index
    %swap3A_612 = tpu.vector_load %arg7[%swap3A_611] {strides = array<i32>} : memref<256xf32, #tpu.memory_space<vmem>>, vector<16xf32>,
    tpu.vector_store %arg7[%swap3A_611], %sub3A_610 {strides = array<i32>} : memref<256xf32, #tpu.memory_space<vmem>>, vector<16xf32>,
    %sub3A_613 = vector.broadcast %add3A_476 : f32 to vector<16xf32>
    %sub3A_614 = arith.subf %sub3A_613, %get3A_608 : vector<16xf32>
    %div3A_615 = arith.divf %sub3A_614, %sub3A_610 : vector<16xf32>
    %swap3A_616 = arith.constant 160 : index
    %swap3A_617 = tpu.vector_load %arg8[%swap3A_616] {strides = array<i32>} : memref<256xf32, #tpu.memory_space<vmem>>, vector<16xf32>,
    tpu.vector_store %arg8[%swap3A_616], %div3A_615 {strides = array<i32>} : memref<256xf32, #tpu.memory_space<vmem>>, vector<16xf32>,
    %get3A_618 = arith.constant 176 : index
    %get3A_619 = tpu.vector_load %arg5[%get3A_618] {strides = array<i32>} : memref<256xf32, #tpu.memory_space<vmem>>, vector<16xf32>,
    %get3A_620 = arith.constant 176 : index
    %get3A_621 = tpu.vector_load %arg6[%get3A_620] {strides = array<i32>} : memref<256xf32, #tpu.memory_space<vmem>>, vector<16xf32>,
    %sub3A_622 = vector.broadcast %add3A_471 : f32 to vector<16xf32>
    %sub3A_623 = arith.subf %sub3A_622, %get3A_619 : vector<16xf32>
    %swap3A_624 = arith.constant 176 : index
    %swap3A_625 = tpu.vector_load %arg7[%swap3A_624] {strides = array<i32>} : memref<256xf32, #tpu.memory_space<vmem>>, vector<16xf32>,
    tpu.vector_store %arg7[%swap3A_624], %sub3A_623 {strides = array<i32>} : memref<256xf32, #tpu.memory_space<vmem>>, vector<16xf32>,
    %sub3A_626 = vector.broadcast %add3A_476 : f32 to vector<16xf32>
    %sub3A_627 = arith.subf %sub3A_626, %get3A_621 : vector<16xf32>
    %div3A_628 = arith.divf %sub3A_627, %sub3A_623 : vector<16xf32>
    %swap3A_629 = arith.constant 176 : index
    %swap3A_630 = tpu.vector_load %arg8[%swap3A_629] {strides = array<i32>} : memref<256xf32, #tpu.memory_space<vmem>>, vector<16xf32>,
    tpu.vector_store %arg8[%swap3A_629], %div3A_628 {strides = array<i32>} : memref<256xf32, #tpu.memory_space<vmem>>, vector<16xf32>,
    %get3A_631 = arith.constant 192 : index
    %get3A_632 = tpu.vector_load %arg5[%get3A_631] {strides = array<i32>} : memref<256xf32, #tpu.memory_space<vmem>>, vector<16xf32>,
    %get3A_633 = arith.constant 192 : index
    %get3A_634 = tpu.vector_load %arg6[%get3A_633] {strides = array<i32>} : memref<256xf32, #tpu.memory_space<vmem>>, vector<16xf32>,
    %sub3A_635 = vector.broadcast %add3A_471 : f32 to vector<16xf32>
    %sub3A_636 = arith.subf %sub3A_635, %get3A_632 : vector<16xf32>
    %swap3A_637 = arith.constant 192 : index
    %swap3A_638 = tpu.vector_load %arg7[%swap3A_637] {strides = array<i32>} : memref<256xf32, #tpu.memory_space<vmem>>, vector<16xf32>,
    tpu.vector_store %arg7[%swap3A_637], %sub3A_636 {strides = array<i32>} : memref<256xf32, #tpu.memory_space<vmem>>, vector<16xf32>,
    %sub3A_639 = vector.broadcast %add3A_476 : f32 to vector<16xf32>
    %sub3A_640 = arith.subf %sub3A_639, %get3A_634 : vector<16xf32>
    %div3A_641 = arith.divf %sub3A_640, %sub3A_636 : vector<16xf32>
    %swap3A_642 = arith.constant 192 : index
    %swap3A_643 = tpu.vector_load %arg8[%swap3A_642] {strides = array<i32>} : memref<256xf32, #tpu.memory_space<vmem>>, vector<16xf32>,
    tpu.vector_store %arg8[%swap3A_642], %div3A_641 {strides = array<i32>} : memref<256xf32, #tpu.memory_space<vmem>>, vector<16xf32>,
    %get3A_644 = arith.constant 208 : index
    %get3A_645 = tpu.vector_load %arg5[%get3A_644] {strides = array<i32>} : memref<256xf32, #tpu.memory_space<vmem>>, vector<16xf32>,
    %get3A_646 = arith.constant 208 : index
    %get3A_647 = tpu.vector_load %arg6[%get3A_646] {strides = array<i32>} : memref<256xf32, #tpu.memory_space<vmem>>, vector<16xf32>,
    %sub3A_648 = vector.broadcast %add3A_471 : f32 to vector<16xf32>
    %sub3A_649 = arith.subf %sub3A_648, %get3A_645 : vector<16xf32>
    %swap3A_650 = arith.constant 208 : index
    %swap3A_651 = tpu.vector_load %arg7[%swap3A_650] {strides = array<i32>} : memref<256xf32, #tpu.memory_space<vmem>>, vector<16xf32>,
    tpu.vector_store %arg7[%swap3A_650], %sub3A_649 {strides = array<i32>} : memref<256xf32, #tpu.memory_space<vmem>>, vector<16xf32>,
    %sub3A_652 = vector.broadcast %add3A_476 : f32 to vector<16xf32>
    %sub3A_653 = arith.subf %sub3A_652, %get3A_647 : vector<16xf32>
    %div3A_654 = arith.divf %sub3A_653, %sub3A_649 : vector<16xf32>
    %swap3A_655 = arith.constant 208 : index
    %swap3A_656 = tpu.vector_load %arg8[%swap3A_655] {strides = array<i32>} : memref<256xf32, #tpu.memory_space<vmem>>, vector<16xf32>,
    tpu.vector_store %arg8[%swap3A_655], %div3A_654 {strides = array<i32>} : memref<256xf32, #tpu.memory_space<vmem>>, vector<16xf32>,
    %get3A_657 = arith.constant 224 : index
    %get3A_658 = tpu.vector_load %arg5[%get3A_657] {strides = array<i32>} : memref<256xf32, #tpu.memory_space<vmem>>, vector<16xf32>,
    %get3A_659 = arith.constant 224 : index
    %get3A_660 = tpu.vector_load %arg6[%get3A_659] {strides = array<i32>} : memref<256xf32, #tpu.memory_space<vmem>>, vector<16xf32>,
    %sub3A_661 = vector.broadcast %add3A_471 : f32 to vector<16xf32>
    %sub3A_662 = arith.subf %sub3A_661, %get3A_658 : vector<16xf32>
    %swap3A_663 = arith.constant 224 : index
    %swap3A_664 = tpu.vector_load %arg7[%swap3A_663] {strides = array<i32>} : memref<256xf32, #tpu.memory_space<vmem>>, vector<16xf32>,
    tpu.vector_store %arg7[%swap3A_663], %sub3A_662 {strides = array<i32>} : memref<256xf32, #tpu.memory_space<vmem>>, vector<16xf32>,
    %sub3A_665 = vector.broadcast %add3A_476 : f32 to vector<16xf32>
    %sub3A_666 = arith.subf %sub3A_665, %get3A_660 : vector<16xf32>
    %div3A_667 = arith.divf %sub3A_666, %sub3A_662 : vector<16xf32>
    %swap3A_668 = arith.constant 224 : index
    %swap3A_669 = tpu.vector_load %arg8[%swap3A_668] {strides = array<i32>} : memref<256xf32, #tpu.memory_space<vmem>>, vector<16xf32>,
    tpu.vector_store %arg8[%swap3A_668], %div3A_667 {strides = array<i32>} : memref<256xf32, #tpu.memory_space<vmem>>, vector<16xf32>,
    %get3A_670 = arith.constant 240 : index
    %get3A_671 = tpu.vector_load %arg5[%get3A_670] {strides = array<i32>} : memref<256xf32, #tpu.memory_space<vmem>>, vector<16xf32>,
    %get3A_672 = arith.constant 240 : index
    %get3A_673 = tpu.vector_load %arg6[%get3A_672] {strides = array<i32>} : memref<256xf32, #tpu.memory_space<vmem>>, vector<16xf32>,
    %sub3A_674 = vector.broadcast %add3A_471 : f32 to vector<16xf32>
    %sub3A_675 = arith.subf %sub3A_674, %get3A_671 : vector<16xf32>
    %swap3A_676 = arith.constant 240 : index
    %swap3A_677 = tpu.vector_load %arg7[%swap3A_676] {strides = array<i32>} : memref<256xf32, #tpu.memory_space<vmem>>, vector<16xf32>,
    tpu.vector_store %arg7[%swap3A_676], %sub3A_675 {strides = array<i32>} : memref<256xf32, #tpu.memory_space<vmem>>, vector<16xf32>,
    %sub3A_678 = vector.broadcast %add3A_476 : f32 to vector<16xf32>
    %sub3A_679 = arith.subf %sub3A_678, %get3A_673 : vector<16xf32>
    %div3A_680 = arith.divf %sub3A_679, %sub3A_675 : vector<16xf32>
    %swap3A_681 = arith.constant 240 : index
    %swap3A_682 = tpu.vector_load %arg8[%swap3A_681] {strides = array<i32>} : memref<256xf32, #tpu.memory_space<vmem>>, vector<16xf32>,
    tpu.vector_store %arg8[%swap3A_681], %div3A_680 {strides = array<i32>} : memref<256xf32, #tpu.memory_space<vmem>>, vector<16xf32>,
    %broadcast_in_dim3A_683 = arith.constant -5.000000e-01 : f32
    %broadcast_in_dim3A_684 = vector.broadcast %broadcast_in_dim3A_683 : f32 to vector<16xf32>
    %broadcast_in_dim3A_685 = arith.constant 1073741824 : i32
    %broadcast_in_dim3A_686 = vector.broadcast %broadcast_in_dim3A_685 : i32 to vector<16xi32>
    %scan3A = arith.constant 0 : i32
    %scan3A_687 = arith.constant 16 : i32
    %scan3A_688 = arith.addi %scan3A, %scan3A_687 : i32
    %scan3A_689 = arith.constant 1 : i32
    %scan3A_690:2 = scf.for %scan3A_706 = %scan3A to %scan3A_688 step %scan3A_689 iter_args(%scan3A_707 = %broadcast_in_dim3A_684, %scan3A_708 = %broadcast_in_dim3A_686) -> (vector<16xf32>, vector<16xi32>)  : i32 {
      %mul3A_709 = arith.constant 16 : i32
      %mul3A_710 = arith.muli %mul3A_709, %scan3A_706 : i32
      %add3A_711 = arith.addi %arg1, %mul3A_710 : i32
      %broadcast_in_dim3A_712 = vector.broadcast %add3A_711 : i32 to vector<16xi32>
      %gather3A = tpu.vector_load_idx %arg5[%broadcast_in_dim3A_712] : memref<256xf32, #tpu.memory_space<vmem>>[vector<16xi32>], vector<16xf32>,
      %gather3A_713 = tpu.vector_load_idx %arg6[%broadcast_in_dim3A_712] : memref<256xf32, #tpu.memory_space<vmem>>[vector<16xi32>], vector<16xf32>,
      %div3A_714 = arith.divf %gather3A_713, %gather3A : vector<16xf32>
      %add3A_715 = arith.constant 1 : i32
      %add3A_716 = arith.addi %add3A_711, %add3A_715 : i32
      %jit3A = arith.constant 16 : i32
      %div3A_717 = arith.divsi %add3A_716, %jit3A : i32
      %sign3A = arith.constant 0 : i32
      %sign3A_718 = arith.cmpi sgt, %add3A_716, %sign3A : i32
      %sign3A_719 = arith.extui %sign3A_718 : i1 to i32
      %sign3A_720 = arith.constant 0 : i32
      %sign3A_721 = arith.cmpi slt, %add3A_716, %sign3A_720 : i32
      %sign3A_722 = arith.extui %sign3A_721 : i1 to i32
      %sign3A_723 = arith.subi %sign3A_719, %sign3A_722 : i32
      %sign3A_724 = arith.constant 0 : i32
      %sign3A_725 = arith.cmpi sgt, %jit3A, %sign3A_724 : i32
      %sign3A_726 = arith.extui %sign3A_725 : i1 to i32
      %sign3A_727 = arith.constant 0 : i32
      %sign3A_728 = arith.cmpi slt, %jit3A, %sign3A_727 : i32
      %sign3A_729 = arith.extui %sign3A_728 : i1 to i32
      %sign3A_730 = arith.subi %sign3A_726, %sign3A_729 : i32
      %ne3A = arith.cmpi ne, %sign3A_723, %sign3A_730 : i32
      %rem3A = arith.remsi %add3A_716, %jit3A : i32
      %ne3A_731 = arith.constant 0 : i32
      %ne3A_732 = arith.cmpi ne, %rem3A, %ne3A_731 : i32
      %and3A = arith.andi %ne3A, %ne3A_732 : i1
      %sub3A_733 = arith.constant 1 : i32
      %sub3A_734 = arith.subi %div3A_717, %sub3A_733 : i32
      %select_n3A = arith.select %and3A, %sub3A_734, %div3A_717 : i32
      %while3A = arith.constant 16 : i32
      %while3A_735 = arith.subi %while3A, %select_n3A : i32
      %while3A_736 = arith.addi %select_n3A, %while3A_735 : i32
      %while3A_737 = arith.constant 1 : i32
      %while3A_738 = arith.divsi %while3A_735, %while3A_737 : i32
      %while3A_739 = arith.muli %while3A_738, %while3A_737 : i32
      %while3A_740 = arith.addi %select_n3A, %while3A_739 : i32
      %while3A_741 = arith.constant 1 : i32
      %while3A_742:2 = scf.for %while3A_745 = %select_n3A to %while3A_740 step %while3A_741 iter_args(%while3A_746 = %scan3A_707, %while3A_747 = %scan3A_708) -> (vector<16xf32>, vector<16xi32>)  : i32 {
        %mul3A_748 = arith.constant 16 : i32
        %mul3A_749 = arith.muli %while3A_745, %mul3A_748 : i32
        %get3A_750 = arith.index_cast %mul3A_749 : i32 to index
        %get3A_751 = tpu.vector_load %arg5[%get3A_750] {strides = array<i32>} : memref<256xf32, #tpu.memory_space<vmem>>, vector<16xf32>,
        %get3A_752 = arith.index_cast %mul3A_749 : i32 to index
        %get3A_753 = tpu.vector_load %arg6[%get3A_752] {strides = array<i32>} : memref<256xf32, #tpu.memory_space<vmem>>, vector<16xf32>,
        %get3A_754 = arith.index_cast %mul3A_749 : i32 to index
        %get3A_755 = tpu.vector_load %arg7[%get3A_754] {strides = array<i32>} : memref<256xf32, #tpu.memory_space<vmem>>, vector<16xf32>,
        %get3A_756 = arith.index_cast %mul3A_749 : i32 to index
        %get3A_757 = tpu.vector_load %arg8[%get3A_756] {strides = array<i32>} : memref<256xf32, #tpu.memory_space<vmem>>, vector<16xf32>,
        %sub3A_758 = arith.subf %get3A_751, %gather3A : vector<16xf32>
        %sub3A_759 = arith.subf %get3A_753, %gather3A_713 : vector<16xf32>
        %div3A_760 = arith.divf %sub3A_759, %sub3A_758 : vector<16xf32>
        %sub3A_761 = arith.subf %div3A_714, %div3A_760 : vector<16xf32>
        %sub3A_762 = arith.subf %div3A_714, %get3A_757 : vector<16xf32>
        %sub3A_763 = arith.subf %div3A_760, %get3A_757 : vector<16xf32>
        %mul3A_764 = arith.mulf %gather3A, %sub3A_758 : vector<16xf32>
        %mul3A_765 = arith.mulf %sub3A_761, %sub3A_761 : vector<16xf32>
        %mul3A_766 = arith.mulf %mul3A_764, %mul3A_765 : vector<16xf32>
        %mul3A_767 = arith.mulf %gather3A, %get3A_755 : vector<16xf32>
        %mul3A_768 = arith.mulf %sub3A_762, %sub3A_762 : vector<16xf32>
        %mul3A_769 = arith.mulf %mul3A_767, %mul3A_768 : vector<16xf32>
        %add3A_770 = arith.addf %mul3A_766, %mul3A_769 : vector<16xf32>
        %mul3A_771 = arith.mulf %sub3A_758, %get3A_755 : vector<16xf32>
        %mul3A_772 = arith.mulf %sub3A_763, %sub3A_763 : vector<16xf32>
        %mul3A_773 = arith.mulf %mul3A_771, %mul3A_772 : vector<16xf32>
        %add3A_774 = arith.addf %add3A_770, %mul3A_773 : vector<16xf32>
        %eq3A_775 = arith.constant 0.000000e+00 : f32
        %eq3A_776 = vector.broadcast %eq3A_775 : f32 to vector<16xf32>
        %eq3A_777 = arith.cmpf oeq, %gather3A, %eq3A_776 : vector<16xf32>
        %eq3A_778 = arith.constant 0.000000e+00 : f32
        %eq3A_779 = vector.broadcast %eq3A_778 : f32 to vector<16xf32>
        %eq3A_780 = arith.cmpf oeq, %sub3A_758, %eq3A_779 : vector<16xf32>
        %or3A = arith.ori %eq3A_777, %eq3A_780 : vector<16xi1>
        %eq3A_781 = arith.constant 0.000000e+00 : f32
        %eq3A_782 = vector.broadcast %eq3A_781 : f32 to vector<16xf32>
        %eq3A_783 = arith.cmpf oeq, %get3A_755, %eq3A_782 : vector<16xf32>
        %or3A_784 = arith.ori %or3A, %eq3A_783 : vector<16xi1>
        %jit3A_785 = arith.constant 0.000000e+00 : f32
        %broadcast_in_dim3A_786 = vector.broadcast %jit3A_785 : f32 to vector<16xf32>
        %select_n3A_787 = arith.select %or3A_784, %broadcast_in_dim3A_786, %add3A_774 : vector<16xi1>, vector<16xf32>
        %add3A_788 = vector.broadcast %mul3A_749 : i32 to vector<16xi32>
        %add3A_789 = arith.addi %iota3A, %add3A_788 : vector<16xi32>
        %gt3A = vector.broadcast %add3A_711 : i32 to vector<16xi32>
        %gt3A_790 = arith.cmpi sgt, %add3A_789, %gt3A : vector<16xi32>
        %le3A = arith.constant 254 : i32
        %le3A_791 = vector.broadcast %le3A : i32 to vector<16xi32>
        %le3A_792 = arith.cmpi sle, %add3A_789, %le3A_791 : vector<16xi32>
        %and3A_793 = arith.andi %gt3A_790, %le3A_792 : vector<16xi1>
        %jit3A_794 = arith.constant -1.000000e+00 : f32
        %broadcast_in_dim3A_795 = vector.broadcast %jit3A_794 : f32 to vector<16xf32>
        %select_n3A_796 = arith.select %and3A_793, %select_n3A_787, %broadcast_in_dim3A_795 : vector<16xi1>, vector<16xf32>
        %gt3A_797 = arith.cmpf ogt, %select_n3A_796, %while3A_746 : vector<16xf32>
        %max3A = arith.maximumf %select_n3A_796, %while3A_746 : vector<16xf32>
        %mul3A_798 = arith.constant 256 : i32
        %mul3A_799 = arith.muli %add3A_711, %mul3A_798 : i32
        %add3A_800 = vector.broadcast %mul3A_799 : i32 to vector<16xi32>
        %add3A_801 = arith.addi %add3A_800, %add3A_789 : vector<16xi32>
        %select_n3A_802 = arith.select %gt3A_797, %add3A_801, %while3A_747 : vector<16xi1>, vector<16xi32>
        scf.yield %max3A, %select_n3A_802 : vector<16xf32>, vector<16xi32>
      }
      %while3A_743 = arith.constant 1 : i32
      %while3A_744:2 = scf.for %while3A_745 = %while3A_740 to %while3A_736 step %while3A_743 iter_args(%while3A_746 = %while3A_742#0, %while3A_747 = %while3A_742#1) -> (vector<16xf32>, vector<16xi32>)  : i32 {
        %mul3A_748 = arith.constant 16 : i32
        %mul3A_749 = arith.muli %while3A_745, %mul3A_748 : i32
        %get3A_750 = arith.index_cast %mul3A_749 : i32 to index
        %get3A_751 = tpu.vector_load %arg5[%get3A_750] {strides = array<i32>} : memref<256xf32, #tpu.memory_space<vmem>>, vector<16xf32>,
        %get3A_752 = arith.index_cast %mul3A_749 : i32 to index
        %get3A_753 = tpu.vector_load %arg6[%get3A_752] {strides = array<i32>} : memref<256xf32, #tpu.memory_space<vmem>>, vector<16xf32>,
        %get3A_754 = arith.index_cast %mul3A_749 : i32 to index
        %get3A_755 = tpu.vector_load %arg7[%get3A_754] {strides = array<i32>} : memref<256xf32, #tpu.memory_space<vmem>>, vector<16xf32>,
        %get3A_756 = arith.index_cast %mul3A_749 : i32 to index
        %get3A_757 = tpu.vector_load %arg8[%get3A_756] {strides = array<i32>} : memref<256xf32, #tpu.memory_space<vmem>>, vector<16xf32>,
        %sub3A_758 = arith.subf %get3A_751, %gather3A : vector<16xf32>
        %sub3A_759 = arith.subf %get3A_753, %gather3A_713 : vector<16xf32>
        %div3A_760 = arith.divf %sub3A_759, %sub3A_758 : vector<16xf32>
        %sub3A_761 = arith.subf %div3A_714, %div3A_760 : vector<16xf32>
        %sub3A_762 = arith.subf %div3A_714, %get3A_757 : vector<16xf32>
        %sub3A_763 = arith.subf %div3A_760, %get3A_757 : vector<16xf32>
        %mul3A_764 = arith.mulf %gather3A, %sub3A_758 : vector<16xf32>
        %mul3A_765 = arith.mulf %sub3A_761, %sub3A_761 : vector<16xf32>
        %mul3A_766 = arith.mulf %mul3A_764, %mul3A_765 : vector<16xf32>
        %mul3A_767 = arith.mulf %gather3A, %get3A_755 : vector<16xf32>
        %mul3A_768 = arith.mulf %sub3A_762, %sub3A_762 : vector<16xf32>
        %mul3A_769 = arith.mulf %mul3A_767, %mul3A_768 : vector<16xf32>
        %add3A_770 = arith.addf %mul3A_766, %mul3A_769 : vector<16xf32>
        %mul3A_771 = arith.mulf %sub3A_758, %get3A_755 : vector<16xf32>
        %mul3A_772 = arith.mulf %sub3A_763, %sub3A_763 : vector<16xf32>
        %mul3A_773 = arith.mulf %mul3A_771, %mul3A_772 : vector<16xf32>
        %add3A_774 = arith.addf %add3A_770, %mul3A_773 : vector<16xf32>
        %eq3A_775 = arith.constant 0.000000e+00 : f32
        %eq3A_776 = vector.broadcast %eq3A_775 : f32 to vector<16xf32>
        %eq3A_777 = arith.cmpf oeq, %gather3A, %eq3A_776 : vector<16xf32>
        %eq3A_778 = arith.constant 0.000000e+00 : f32
        %eq3A_779 = vector.broadcast %eq3A_778 : f32 to vector<16xf32>
        %eq3A_780 = arith.cmpf oeq, %sub3A_758, %eq3A_779 : vector<16xf32>
        %or3A = arith.ori %eq3A_777, %eq3A_780 : vector<16xi1>
        %eq3A_781 = arith.constant 0.000000e+00 : f32
        %eq3A_782 = vector.broadcast %eq3A_781 : f32 to vector<16xf32>
        %eq3A_783 = arith.cmpf oeq, %get3A_755, %eq3A_782 : vector<16xf32>
        %or3A_784 = arith.ori %or3A, %eq3A_783 : vector<16xi1>
        %jit3A_785 = arith.constant 0.000000e+00 : f32
        %broadcast_in_dim3A_786 = vector.broadcast %jit3A_785 : f32 to vector<16xf32>
        %select_n3A_787 = arith.select %or3A_784, %broadcast_in_dim3A_786, %add3A_774 : vector<16xi1>, vector<16xf32>
        %add3A_788 = vector.broadcast %mul3A_749 : i32 to vector<16xi32>
        %add3A_789 = arith.addi %iota3A, %add3A_788 : vector<16xi32>
        %gt3A = vector.broadcast %add3A_711 : i32 to vector<16xi32>
        %gt3A_790 = arith.cmpi sgt, %add3A_789, %gt3A : vector<16xi32>
        %le3A = arith.constant 254 : i32
        %le3A_791 = vector.broadcast %le3A : i32 to vector<16xi32>
        %le3A_792 = arith.cmpi sle, %add3A_789, %le3A_791 : vector<16xi32>
        %and3A_793 = arith.andi %gt3A_790, %le3A_792 : vector<16xi1>
        %jit3A_794 = arith.constant -1.000000e+00 : f32
        %broadcast_in_dim3A_795 = vector.broadcast %jit3A_794 : f32 to vector<16xf32>
        %select_n3A_796 = arith.select %and3A_793, %select_n3A_787, %broadcast_in_dim3A_795 : vector<16xi1>, vector<16xf32>
        %gt3A_797 = arith.cmpf ogt, %select_n3A_796, %while3A_746 : vector<16xf32>
        %max3A = arith.maximumf %select_n3A_796, %while3A_746 : vector<16xf32>
        %mul3A_798 = arith.constant 256 : i32
        %mul3A_799 = arith.muli %add3A_711, %mul3A_798 : i32
        %add3A_800 = vector.broadcast %mul3A_799 : i32 to vector<16xi32>
        %add3A_801 = arith.addi %add3A_800, %add3A_789 : vector<16xi32>
        %select_n3A_802 = arith.select %gt3A_797, %add3A_801, %while3A_747 : vector<16xi1>, vector<16xi32>
        scf.yield %max3A, %select_n3A_802 : vector<16xf32>, vector<16xi32>
      }
      scf.yield %while3A_744#0, %while3A_744#1 : vector<16xf32>, vector<16xi32>
    }
    %scan3A_691 = arith.constant 16 : i32
    %swap3A_692 = arith.constant 0 : i32
    %swap3A_693 = arith.index_cast %swap3A_692 : i32 to index
    %swap3A_694 = arith.constant 0 : index
    %swap3A_695 = tpu.vector_load %arg9[%swap3A_693, %swap3A_694] {strides = array<i32>} : memref<2x16xf32, #tpu.memory_space<vmem>>, vector<16xf32>,
    tpu.vector_store %arg9[%swap3A_693, %swap3A_694], %scan3A_690#0 {strides = array<i32>} : memref<2x16xf32, #tpu.memory_space<vmem>>, vector<16xf32>,
    %bitcast3A = vector.bitcast %scan3A_690#1 : vector<16xi32> to vector<16xf32>
    %swap3A_696 = arith.constant 1 : i32
    %swap3A_697 = arith.index_cast %swap3A_696 : i32 to index
    %swap3A_698 = arith.constant 0 : index
    %swap3A_699 = tpu.vector_load %arg9[%swap3A_697, %swap3A_698] {strides = array<i32>} : memref<2x16xf32, #tpu.memory_space<vmem>>, vector<16xf32>,
    tpu.vector_store %arg9[%swap3A_697, %swap3A_698], %bitcast3A {strides = array<i32>} : memref<2x16xf32, #tpu.memory_space<vmem>>, vector<16xf32>,
    %mul3A_700 = arith.constant 16 : i32
    %mul3A_701 = arith.muli %arg0, %mul3A_700 : i32
    %add3A_702 = arith.addi %mul3A_701, %arg1 : i32
    "tpu.region"() ({
      %run_scoped3A = tpu.sem_alloc : memref<!tpu.dma_semaphore, #tpu.memory_space<semaphore_mem>>
      %dma_start3A = arith.constant 0 : i32
      %dma_start3A_706 = arith.constant 0 : i32
      %dma_start3A_707 = tpu.memref_slice %arg12[%add3A_702, %dma_start3A, %dma_start3A_706] : memref<32x2x16xf32, #tpu.memory_space<hbm>> -> memref<1x2x16xf32, #tpu.memory_space<hbm>>
      %dma_start3A_708 = tpu.memref_squeeze %dma_start3A_707 : memref<1x2x16xf32, #tpu.memory_space<hbm>> -> memref<2x16xf32, #tpu.memory_space<hbm>>
      %dma_start3A_709 = arith.constant 0 : i32
      %dma_start3A_710 = arith.constant 0 : i32
      %dma_start3A_711 = tpu.memref_slice %arg12[%add3A_702, %dma_start3A_709, %dma_start3A_710] : memref<32x2x16xf32, #tpu.memory_space<hbm>> -> memref<1x2x16xf32, #tpu.memory_space<hbm>>
      %dma_start3A_712 = tpu.memref_squeeze %dma_start3A_711 : memref<1x2x16xf32, #tpu.memory_space<hbm>> -> memref<2x16xf32, #tpu.memory_space<hbm>>
      tpu.enqueue_dma source(%arg9 : memref<2x16xf32, #tpu.memory_space<vmem>>) target(%dma_start3A_712 : memref<2x16xf32, #tpu.memory_space<hbm>>) target_semaphore(%run_scoped3A : memref<!tpu.dma_semaphore, #tpu.memory_space<semaphore_mem>>)
      %dma_wait3A = arith.constant 0 : i32
      %dma_wait3A_713 = arith.constant 0 : i32
      %dma_wait3A_714 = tpu.memref_slice %arg12[%add3A_702, %dma_wait3A, %dma_wait3A_713] : memref<32x2x16xf32, #tpu.memory_space<hbm>> -> memref<1x2x16xf32, #tpu.memory_space<hbm>>
      %dma_wait3A_715 = tpu.memref_squeeze %dma_wait3A_714 : memref<1x2x16xf32, #tpu.memory_space<hbm>> -> memref<2x16xf32, #tpu.memory_space<hbm>>
      %dma_wait3A_716 = arith.constant 0 : i32
      %dma_wait3A_717 = arith.constant 0 : i32
      %dma_wait3A_718 = tpu.memref_slice %arg12[%add3A_702, %dma_wait3A_716, %dma_wait3A_717] : memref<32x2x16xf32, #tpu.memory_space<hbm>> -> memref<1x2x16xf32, #tpu.memory_space<hbm>>
      %dma_wait3A_719 = tpu.memref_squeeze %dma_wait3A_718 : memref<1x2x16xf32, #tpu.memory_space<hbm>> -> memref<2x16xf32, #tpu.memory_space<hbm>>
      tpu.wait_dma2 semaphore(%run_scoped3A : memref<!tpu.dma_semaphore, #tpu.memory_space<semaphore_mem>>) src(%arg9 : memref<2x16xf32, #tpu.memory_space<vmem>>) dst(%dma_wait3A_719 : memref<2x16xf32, #tpu.memory_space<hbm>>)
      tpu.yield
    }) : () -> ()
    %barrier3A = arith.constant 0 : index
    tpu.barrier barrier_id(%barrier3A)
    %eq3A = arith.constant 0 : i32
    %eq3A_703 = arith.cmpi eq, %arg1, %eq3A : i32
    %convert_element_type3A_704 = arith.extui %eq3A_703 : i1 to i32
    %cond3A = arith.constant 0 : i32
    %cond3A_705 = arith.cmpi ne, %convert_element_type3A_704, %cond3A : i32
    scf.if %cond3A_705 {
      %mul3A_706 = arith.constant 16 : i32
      %mul3A_707 = arith.muli %arg0, %mul3A_706 : i32
      "tpu.region"() ({
        %run_scoped3A = tpu.sem_alloc : memref<!tpu.dma_semaphore, #tpu.memory_space<semaphore_mem>>
        %dma_start3A = arith.constant 0 : i32
        %dma_start3A_1068 = arith.constant 0 : i32
        %dma_start3A_1069 = tpu.memref_slice %arg12[%mul3A_707, %dma_start3A, %dma_start3A_1068] : memref<32x2x16xf32, #tpu.memory_space<hbm>> -> memref<16x2x16xf32, #tpu.memory_space<hbm>>
        %dma_start3A_1070 = arith.constant 0 : i32
        %dma_start3A_1071 = arith.constant 0 : i32
        %dma_start3A_1072 = tpu.memref_slice %arg12[%mul3A_707, %dma_start3A_1070, %dma_start3A_1071] : memref<32x2x16xf32, #tpu.memory_space<hbm>> -> memref<16x2x16xf32, #tpu.memory_space<hbm>>
        tpu.enqueue_dma source(%dma_start3A_1072 : memref<16x2x16xf32, #tpu.memory_space<hbm>>) target(%arg10 : memref<16x2x16xf32, #tpu.memory_space<vmem>>) target_semaphore(%run_scoped3A : memref<!tpu.dma_semaphore, #tpu.memory_space<semaphore_mem>>)
        %dma_wait3A = arith.constant 0 : i32
        %dma_wait3A_1073 = arith.constant 0 : i32
        %dma_wait3A_1074 = tpu.memref_slice %arg12[%mul3A_707, %dma_wait3A, %dma_wait3A_1073] : memref<32x2x16xf32, #tpu.memory_space<hbm>> -> memref<16x2x16xf32, #tpu.memory_space<hbm>>
        %dma_wait3A_1075 = arith.constant 0 : i32
        %dma_wait3A_1076 = arith.constant 0 : i32
        %dma_wait3A_1077 = tpu.memref_slice %arg12[%mul3A_707, %dma_wait3A_1075, %dma_wait3A_1076] : memref<32x2x16xf32, #tpu.memory_space<hbm>> -> memref<16x2x16xf32, #tpu.memory_space<hbm>>
        tpu.wait_dma2 semaphore(%run_scoped3A : memref<!tpu.dma_semaphore, #tpu.memory_space<semaphore_mem>>) src(%dma_wait3A_1077 : memref<16x2x16xf32, #tpu.memory_space<hbm>>) dst(%arg10 : memref<16x2x16xf32, #tpu.memory_space<vmem>>)
        tpu.yield
      }) : () -> ()
      %get3A_708 = arith.constant 0 : i32
      %get3A_709 = arith.constant 0 : i32
      %get3A_710 = arith.index_cast %get3A_708 : i32 to index
      %get3A_711 = arith.index_cast %get3A_709 : i32 to index
      %get3A_712 = arith.constant 0 : index
      %get3A_713 = tpu.vector_load %arg10[%get3A_710, %get3A_711, %get3A_712] {strides = array<i32>} : memref<16x2x16xf32, #tpu.memory_space<vmem>>, vector<16xf32>,
      %get3A_714 = arith.constant 0 : i32
      %get3A_715 = arith.constant 1 : i32
      %get3A_716 = arith.index_cast %get3A_714 : i32 to index
      %get3A_717 = arith.index_cast %get3A_715 : i32 to index
      %get3A_718 = arith.constant 0 : index
      %get3A_719 = tpu.vector_load %arg10[%get3A_716, %get3A_717, %get3A_718] {strides = array<i32>} : memref<16x2x16xf32, #tpu.memory_space<vmem>>, vector<16xf32>,
      %bitcast3A_720 = vector.bitcast %get3A_719 : vector<16xf32> to vector<16xi32>
      %get3A_721 = arith.constant 1 : i32
      %get3A_722 = arith.constant 0 : i32
      %get3A_723 = arith.index_cast %get3A_721 : i32 to index
      %get3A_724 = arith.index_cast %get3A_722 : i32 to index
      %get3A_725 = arith.constant 0 : index
      %get3A_726 = tpu.vector_load %arg10[%get3A_723, %get3A_724, %get3A_725] {strides = array<i32>} : memref<16x2x16xf32, #tpu.memory_space<vmem>>, vector<16xf32>,
      %get3A_727 = arith.constant 1 : i32
      %get3A_728 = arith.constant 1 : i32
      %get3A_729 = arith.index_cast %get3A_727 : i32 to index
      %get3A_730 = arith.index_cast %get3A_728 : i32 to index
      %get3A_731 = arith.constant 0 : index
      %get3A_732 = tpu.vector_load %arg10[%get3A_729, %get3A_730, %get3A_731] {strides = array<i32>} : memref<16x2x16xf32, #tpu.memory_space<vmem>>, vector<16xf32>,
      %bitcast3A_733 = vector.bitcast %get3A_732 : vector<16xf32> to vector<16xi32>
      %gt3A = arith.cmpf ogt, %get3A_726, %get3A_713 : vector<16xf32>
      %eq3A_734 = arith.cmpf oeq, %get3A_726, %get3A_713 : vector<16xf32>
      %lt3A = arith.cmpi slt, %bitcast3A_733, %bitcast3A_720 : vector<16xi32>
      %and3A = arith.andi %eq3A_734, %lt3A : vector<16xi1>
      %or3A = arith.ori %gt3A, %and3A : vector<16xi1>
      %select_n3A = arith.select %or3A, %get3A_726, %get3A_713 : vector<16xi1>, vector<16xf32>
      %select_n3A_735 = arith.select %or3A, %bitcast3A_733, %bitcast3A_720 : vector<16xi1>, vector<16xi32>
      %get3A_736 = arith.constant 2 : i32
      %get3A_737 = arith.constant 0 : i32
      %get3A_738 = arith.index_cast %get3A_736 : i32 to index
      %get3A_739 = arith.index_cast %get3A_737 : i32 to index
      %get3A_740 = arith.constant 0 : index
      %get3A_741 = tpu.vector_load %arg10[%get3A_738, %get3A_739, %get3A_740] {strides = array<i32>} : memref<16x2x16xf32, #tpu.memory_space<vmem>>, vector<16xf32>,
      %get3A_742 = arith.constant 2 : i32
      %get3A_743 = arith.constant 1 : i32
      %get3A_744 = arith.index_cast %get3A_742 : i32 to index
      %get3A_745 = arith.index_cast %get3A_743 : i32 to index
      %get3A_746 = arith.constant 0 : index
      %get3A_747 = tpu.vector_load %arg10[%get3A_744, %get3A_745, %get3A_746] {strides = array<i32>} : memref<16x2x16xf32, #tpu.memory_space<vmem>>, vector<16xf32>,
      %bitcast3A_748 = vector.bitcast %get3A_747 : vector<16xf32> to vector<16xi32>
      %gt3A_749 = arith.cmpf ogt, %get3A_741, %select_n3A : vector<16xf32>
      %eq3A_750 = arith.cmpf oeq, %get3A_741, %select_n3A : vector<16xf32>
      %lt3A_751 = arith.cmpi slt, %bitcast3A_748, %select_n3A_735 : vector<16xi32>
      %and3A_752 = arith.andi %eq3A_750, %lt3A_751 : vector<16xi1>
      %or3A_753 = arith.ori %gt3A_749, %and3A_752 : vector<16xi1>
      %select_n3A_754 = arith.select %or3A_753, %get3A_741, %select_n3A : vector<16xi1>, vector<16xf32>
      %select_n3A_755 = arith.select %or3A_753, %bitcast3A_748, %select_n3A_735 : vector<16xi1>, vector<16xi32>
      %get3A_756 = arith.constant 3 : i32
      %get3A_757 = arith.constant 0 : i32
      %get3A_758 = arith.index_cast %get3A_756 : i32 to index
      %get3A_759 = arith.index_cast %get3A_757 : i32 to index
      %get3A_760 = arith.constant 0 : index
      %get3A_761 = tpu.vector_load %arg10[%get3A_758, %get3A_759, %get3A_760] {strides = array<i32>} : memref<16x2x16xf32, #tpu.memory_space<vmem>>, vector<16xf32>,
      %get3A_762 = arith.constant 3 : i32
      %get3A_763 = arith.constant 1 : i32
      %get3A_764 = arith.index_cast %get3A_762 : i32 to index
      %get3A_765 = arith.index_cast %get3A_763 : i32 to index
      %get3A_766 = arith.constant 0 : index
      %get3A_767 = tpu.vector_load %arg10[%get3A_764, %get3A_765, %get3A_766] {strides = array<i32>} : memref<16x2x16xf32, #tpu.memory_space<vmem>>, vector<16xf32>,
      %bitcast3A_768 = vector.bitcast %get3A_767 : vector<16xf32> to vector<16xi32>
      %gt3A_769 = arith.cmpf ogt, %get3A_761, %select_n3A_754 : vector<16xf32>
      %eq3A_770 = arith.cmpf oeq, %get3A_761, %select_n3A_754 : vector<16xf32>
      %lt3A_771 = arith.cmpi slt, %bitcast3A_768, %select_n3A_755 : vector<16xi32>
      %and3A_772 = arith.andi %eq3A_770, %lt3A_771 : vector<16xi1>
      %or3A_773 = arith.ori %gt3A_769, %and3A_772 : vector<16xi1>
      %select_n3A_774 = arith.select %or3A_773, %get3A_761, %select_n3A_754 : vector<16xi1>, vector<16xf32>
      %select_n3A_775 = arith.select %or3A_773, %bitcast3A_768, %select_n3A_755 : vector<16xi1>, vector<16xi32>
      %get3A_776 = arith.constant 4 : i32
      %get3A_777 = arith.constant 0 : i32
      %get3A_778 = arith.index_cast %get3A_776 : i32 to index
      %get3A_779 = arith.index_cast %get3A_777 : i32 to index
      %get3A_780 = arith.constant 0 : index
      %get3A_781 = tpu.vector_load %arg10[%get3A_778, %get3A_779, %get3A_780] {strides = array<i32>} : memref<16x2x16xf32, #tpu.memory_space<vmem>>, vector<16xf32>,
      %get3A_782 = arith.constant 4 : i32
      %get3A_783 = arith.constant 1 : i32
      %get3A_784 = arith.index_cast %get3A_782 : i32 to index
      %get3A_785 = arith.index_cast %get3A_783 : i32 to index
      %get3A_786 = arith.constant 0 : index
      %get3A_787 = tpu.vector_load %arg10[%get3A_784, %get3A_785, %get3A_786] {strides = array<i32>} : memref<16x2x16xf32, #tpu.memory_space<vmem>>, vector<16xf32>,
      %bitcast3A_788 = vector.bitcast %get3A_787 : vector<16xf32> to vector<16xi32>
      %gt3A_789 = arith.cmpf ogt, %get3A_781, %select_n3A_774 : vector<16xf32>
      %eq3A_790 = arith.cmpf oeq, %get3A_781, %select_n3A_774 : vector<16xf32>
      %lt3A_791 = arith.cmpi slt, %bitcast3A_788, %select_n3A_775 : vector<16xi32>
      %and3A_792 = arith.andi %eq3A_790, %lt3A_791 : vector<16xi1>
      %or3A_793 = arith.ori %gt3A_789, %and3A_792 : vector<16xi1>
      %select_n3A_794 = arith.select %or3A_793, %get3A_781, %select_n3A_774 : vector<16xi1>, vector<16xf32>
      %select_n3A_795 = arith.select %or3A_793, %bitcast3A_788, %select_n3A_775 : vector<16xi1>, vector<16xi32>
      %get3A_796 = arith.constant 5 : i32
      %get3A_797 = arith.constant 0 : i32
      %get3A_798 = arith.index_cast %get3A_796 : i32 to index
      %get3A_799 = arith.index_cast %get3A_797 : i32 to index
      %get3A_800 = arith.constant 0 : index
      %get3A_801 = tpu.vector_load %arg10[%get3A_798, %get3A_799, %get3A_800] {strides = array<i32>} : memref<16x2x16xf32, #tpu.memory_space<vmem>>, vector<16xf32>,
      %get3A_802 = arith.constant 5 : i32
      %get3A_803 = arith.constant 1 : i32
      %get3A_804 = arith.index_cast %get3A_802 : i32 to index
      %get3A_805 = arith.index_cast %get3A_803 : i32 to index
      %get3A_806 = arith.constant 0 : index
      %get3A_807 = tpu.vector_load %arg10[%get3A_804, %get3A_805, %get3A_806] {strides = array<i32>} : memref<16x2x16xf32, #tpu.memory_space<vmem>>, vector<16xf32>,
      %bitcast3A_808 = vector.bitcast %get3A_807 : vector<16xf32> to vector<16xi32>
      %gt3A_809 = arith.cmpf ogt, %get3A_801, %select_n3A_794 : vector<16xf32>
      %eq3A_810 = arith.cmpf oeq, %get3A_801, %select_n3A_794 : vector<16xf32>
      %lt3A_811 = arith.cmpi slt, %bitcast3A_808, %select_n3A_795 : vector<16xi32>
      %and3A_812 = arith.andi %eq3A_810, %lt3A_811 : vector<16xi1>
      %or3A_813 = arith.ori %gt3A_809, %and3A_812 : vector<16xi1>
      %select_n3A_814 = arith.select %or3A_813, %get3A_801, %select_n3A_794 : vector<16xi1>, vector<16xf32>
      %select_n3A_815 = arith.select %or3A_813, %bitcast3A_808, %select_n3A_795 : vector<16xi1>, vector<16xi32>
      %get3A_816 = arith.constant 6 : i32
      %get3A_817 = arith.constant 0 : i32
      %get3A_818 = arith.index_cast %get3A_816 : i32 to index
      %get3A_819 = arith.index_cast %get3A_817 : i32 to index
      %get3A_820 = arith.constant 0 : index
      %get3A_821 = tpu.vector_load %arg10[%get3A_818, %get3A_819, %get3A_820] {strides = array<i32>} : memref<16x2x16xf32, #tpu.memory_space<vmem>>, vector<16xf32>,
      %get3A_822 = arith.constant 6 : i32
      %get3A_823 = arith.constant 1 : i32
      %get3A_824 = arith.index_cast %get3A_822 : i32 to index
      %get3A_825 = arith.index_cast %get3A_823 : i32 to index
      %get3A_826 = arith.constant 0 : index
      %get3A_827 = tpu.vector_load %arg10[%get3A_824, %get3A_825, %get3A_826] {strides = array<i32>} : memref<16x2x16xf32, #tpu.memory_space<vmem>>, vector<16xf32>,
      %bitcast3A_828 = vector.bitcast %get3A_827 : vector<16xf32> to vector<16xi32>
      %gt3A_829 = arith.cmpf ogt, %get3A_821, %select_n3A_814 : vector<16xf32>
      %eq3A_830 = arith.cmpf oeq, %get3A_821, %select_n3A_814 : vector<16xf32>
      %lt3A_831 = arith.cmpi slt, %bitcast3A_828, %select_n3A_815 : vector<16xi32>
      %and3A_832 = arith.andi %eq3A_830, %lt3A_831 : vector<16xi1>
      %or3A_833 = arith.ori %gt3A_829, %and3A_832 : vector<16xi1>
      %select_n3A_834 = arith.select %or3A_833, %get3A_821, %select_n3A_814 : vector<16xi1>, vector<16xf32>
      %select_n3A_835 = arith.select %or3A_833, %bitcast3A_828, %select_n3A_815 : vector<16xi1>, vector<16xi32>
      %get3A_836 = arith.constant 7 : i32
      %get3A_837 = arith.constant 0 : i32
      %get3A_838 = arith.index_cast %get3A_836 : i32 to index
      %get3A_839 = arith.index_cast %get3A_837 : i32 to index
      %get3A_840 = arith.constant 0 : index
      %get3A_841 = tpu.vector_load %arg10[%get3A_838, %get3A_839, %get3A_840] {strides = array<i32>} : memref<16x2x16xf32, #tpu.memory_space<vmem>>, vector<16xf32>,
      %get3A_842 = arith.constant 7 : i32
      %get3A_843 = arith.constant 1 : i32
      %get3A_844 = arith.index_cast %get3A_842 : i32 to index
      %get3A_845 = arith.index_cast %get3A_843 : i32 to index
      %get3A_846 = arith.constant 0 : index
      %get3A_847 = tpu.vector_load %arg10[%get3A_844, %get3A_845, %get3A_846] {strides = array<i32>} : memref<16x2x16xf32, #tpu.memory_space<vmem>>, vector<16xf32>,
      %bitcast3A_848 = vector.bitcast %get3A_847 : vector<16xf32> to vector<16xi32>
      %gt3A_849 = arith.cmpf ogt, %get3A_841, %select_n3A_834 : vector<16xf32>
      %eq3A_850 = arith.cmpf oeq, %get3A_841, %select_n3A_834 : vector<16xf32>
      %lt3A_851 = arith.cmpi slt, %bitcast3A_848, %select_n3A_835 : vector<16xi32>
      %and3A_852 = arith.andi %eq3A_850, %lt3A_851 : vector<16xi1>
      %or3A_853 = arith.ori %gt3A_849, %and3A_852 : vector<16xi1>
      %select_n3A_854 = arith.select %or3A_853, %get3A_841, %select_n3A_834 : vector<16xi1>, vector<16xf32>
      %select_n3A_855 = arith.select %or3A_853, %bitcast3A_848, %select_n3A_835 : vector<16xi1>, vector<16xi32>
      %get3A_856 = arith.constant 8 : i32
      %get3A_857 = arith.constant 0 : i32
      %get3A_858 = arith.index_cast %get3A_856 : i32 to index
      %get3A_859 = arith.index_cast %get3A_857 : i32 to index
      %get3A_860 = arith.constant 0 : index
      %get3A_861 = tpu.vector_load %arg10[%get3A_858, %get3A_859, %get3A_860] {strides = array<i32>} : memref<16x2x16xf32, #tpu.memory_space<vmem>>, vector<16xf32>,
      %get3A_862 = arith.constant 8 : i32
      %get3A_863 = arith.constant 1 : i32
      %get3A_864 = arith.index_cast %get3A_862 : i32 to index
      %get3A_865 = arith.index_cast %get3A_863 : i32 to index
      %get3A_866 = arith.constant 0 : index
      %get3A_867 = tpu.vector_load %arg10[%get3A_864, %get3A_865, %get3A_866] {strides = array<i32>} : memref<16x2x16xf32, #tpu.memory_space<vmem>>, vector<16xf32>,
      %bitcast3A_868 = vector.bitcast %get3A_867 : vector<16xf32> to vector<16xi32>
      %gt3A_869 = arith.cmpf ogt, %get3A_861, %select_n3A_854 : vector<16xf32>
      %eq3A_870 = arith.cmpf oeq, %get3A_861, %select_n3A_854 : vector<16xf32>
      %lt3A_871 = arith.cmpi slt, %bitcast3A_868, %select_n3A_855 : vector<16xi32>
      %and3A_872 = arith.andi %eq3A_870, %lt3A_871 : vector<16xi1>
      %or3A_873 = arith.ori %gt3A_869, %and3A_872 : vector<16xi1>
      %select_n3A_874 = arith.select %or3A_873, %get3A_861, %select_n3A_854 : vector<16xi1>, vector<16xf32>
      %select_n3A_875 = arith.select %or3A_873, %bitcast3A_868, %select_n3A_855 : vector<16xi1>, vector<16xi32>
      %get3A_876 = arith.constant 9 : i32
      %get3A_877 = arith.constant 0 : i32
      %get3A_878 = arith.index_cast %get3A_876 : i32 to index
      %get3A_879 = arith.index_cast %get3A_877 : i32 to index
      %get3A_880 = arith.constant 0 : index
      %get3A_881 = tpu.vector_load %arg10[%get3A_878, %get3A_879, %get3A_880] {strides = array<i32>} : memref<16x2x16xf32, #tpu.memory_space<vmem>>, vector<16xf32>,
      %get3A_882 = arith.constant 9 : i32
      %get3A_883 = arith.constant 1 : i32
      %get3A_884 = arith.index_cast %get3A_882 : i32 to index
      %get3A_885 = arith.index_cast %get3A_883 : i32 to index
      %get3A_886 = arith.constant 0 : index
      %get3A_887 = tpu.vector_load %arg10[%get3A_884, %get3A_885, %get3A_886] {strides = array<i32>} : memref<16x2x16xf32, #tpu.memory_space<vmem>>, vector<16xf32>,
      %bitcast3A_888 = vector.bitcast %get3A_887 : vector<16xf32> to vector<16xi32>
      %gt3A_889 = arith.cmpf ogt, %get3A_881, %select_n3A_874 : vector<16xf32>
      %eq3A_890 = arith.cmpf oeq, %get3A_881, %select_n3A_874 : vector<16xf32>
      %lt3A_891 = arith.cmpi slt, %bitcast3A_888, %select_n3A_875 : vector<16xi32>
      %and3A_892 = arith.andi %eq3A_890, %lt3A_891 : vector<16xi1>
      %or3A_893 = arith.ori %gt3A_889, %and3A_892 : vector<16xi1>
      %select_n3A_894 = arith.select %or3A_893, %get3A_881, %select_n3A_874 : vector<16xi1>, vector<16xf32>
      %select_n3A_895 = arith.select %or3A_893, %bitcast3A_888, %select_n3A_875 : vector<16xi1>, vector<16xi32>
      %get3A_896 = arith.constant 10 : i32
      %get3A_897 = arith.constant 0 : i32
      %get3A_898 = arith.index_cast %get3A_896 : i32 to index
      %get3A_899 = arith.index_cast %get3A_897 : i32 to index
      %get3A_900 = arith.constant 0 : index
      %get3A_901 = tpu.vector_load %arg10[%get3A_898, %get3A_899, %get3A_900] {strides = array<i32>} : memref<16x2x16xf32, #tpu.memory_space<vmem>>, vector<16xf32>,
      %get3A_902 = arith.constant 10 : i32
      %get3A_903 = arith.constant 1 : i32
      %get3A_904 = arith.index_cast %get3A_902 : i32 to index
      %get3A_905 = arith.index_cast %get3A_903 : i32 to index
      %get3A_906 = arith.constant 0 : index
      %get3A_907 = tpu.vector_load %arg10[%get3A_904, %get3A_905, %get3A_906] {strides = array<i32>} : memref<16x2x16xf32, #tpu.memory_space<vmem>>, vector<16xf32>,
      %bitcast3A_908 = vector.bitcast %get3A_907 : vector<16xf32> to vector<16xi32>
      %gt3A_909 = arith.cmpf ogt, %get3A_901, %select_n3A_894 : vector<16xf32>
      %eq3A_910 = arith.cmpf oeq, %get3A_901, %select_n3A_894 : vector<16xf32>
      %lt3A_911 = arith.cmpi slt, %bitcast3A_908, %select_n3A_895 : vector<16xi32>
      %and3A_912 = arith.andi %eq3A_910, %lt3A_911 : vector<16xi1>
      %or3A_913 = arith.ori %gt3A_909, %and3A_912 : vector<16xi1>
      %select_n3A_914 = arith.select %or3A_913, %get3A_901, %select_n3A_894 : vector<16xi1>, vector<16xf32>
      %select_n3A_915 = arith.select %or3A_913, %bitcast3A_908, %select_n3A_895 : vector<16xi1>, vector<16xi32>
      %get3A_916 = arith.constant 11 : i32
      %get3A_917 = arith.constant 0 : i32
      %get3A_918 = arith.index_cast %get3A_916 : i32 to index
      %get3A_919 = arith.index_cast %get3A_917 : i32 to index
      %get3A_920 = arith.constant 0 : index
      %get3A_921 = tpu.vector_load %arg10[%get3A_918, %get3A_919, %get3A_920] {strides = array<i32>} : memref<16x2x16xf32, #tpu.memory_space<vmem>>, vector<16xf32>,
      %get3A_922 = arith.constant 11 : i32
      %get3A_923 = arith.constant 1 : i32
      %get3A_924 = arith.index_cast %get3A_922 : i32 to index
      %get3A_925 = arith.index_cast %get3A_923 : i32 to index
      %get3A_926 = arith.constant 0 : index
      %get3A_927 = tpu.vector_load %arg10[%get3A_924, %get3A_925, %get3A_926] {strides = array<i32>} : memref<16x2x16xf32, #tpu.memory_space<vmem>>, vector<16xf32>,
      %bitcast3A_928 = vector.bitcast %get3A_927 : vector<16xf32> to vector<16xi32>
      %gt3A_929 = arith.cmpf ogt, %get3A_921, %select_n3A_914 : vector<16xf32>
      %eq3A_930 = arith.cmpf oeq, %get3A_921, %select_n3A_914 : vector<16xf32>
      %lt3A_931 = arith.cmpi slt, %bitcast3A_928, %select_n3A_915 : vector<16xi32>
      %and3A_932 = arith.andi %eq3A_930, %lt3A_931 : vector<16xi1>
      %or3A_933 = arith.ori %gt3A_929, %and3A_932 : vector<16xi1>
      %select_n3A_934 = arith.select %or3A_933, %get3A_921, %select_n3A_914 : vector<16xi1>, vector<16xf32>
      %select_n3A_935 = arith.select %or3A_933, %bitcast3A_928, %select_n3A_915 : vector<16xi1>, vector<16xi32>
      %get3A_936 = arith.constant 12 : i32
      %get3A_937 = arith.constant 0 : i32
      %get3A_938 = arith.index_cast %get3A_936 : i32 to index
      %get3A_939 = arith.index_cast %get3A_937 : i32 to index
      %get3A_940 = arith.constant 0 : index
      %get3A_941 = tpu.vector_load %arg10[%get3A_938, %get3A_939, %get3A_940] {strides = array<i32>} : memref<16x2x16xf32, #tpu.memory_space<vmem>>, vector<16xf32>,
      %get3A_942 = arith.constant 12 : i32
      %get3A_943 = arith.constant 1 : i32
      %get3A_944 = arith.index_cast %get3A_942 : i32 to index
      %get3A_945 = arith.index_cast %get3A_943 : i32 to index
      %get3A_946 = arith.constant 0 : index
      %get3A_947 = tpu.vector_load %arg10[%get3A_944, %get3A_945, %get3A_946] {strides = array<i32>} : memref<16x2x16xf32, #tpu.memory_space<vmem>>, vector<16xf32>,
      %bitcast3A_948 = vector.bitcast %get3A_947 : vector<16xf32> to vector<16xi32>
      %gt3A_949 = arith.cmpf ogt, %get3A_941, %select_n3A_934 : vector<16xf32>
      %eq3A_950 = arith.cmpf oeq, %get3A_941, %select_n3A_934 : vector<16xf32>
      %lt3A_951 = arith.cmpi slt, %bitcast3A_948, %select_n3A_935 : vector<16xi32>
      %and3A_952 = arith.andi %eq3A_950, %lt3A_951 : vector<16xi1>
      %or3A_953 = arith.ori %gt3A_949, %and3A_952 : vector<16xi1>
      %select_n3A_954 = arith.select %or3A_953, %get3A_941, %select_n3A_934 : vector<16xi1>, vector<16xf32>
      %select_n3A_955 = arith.select %or3A_953, %bitcast3A_948, %select_n3A_935 : vector<16xi1>, vector<16xi32>
      %get3A_956 = arith.constant 13 : i32
      %get3A_957 = arith.constant 0 : i32
      %get3A_958 = arith.index_cast %get3A_956 : i32 to index
      %get3A_959 = arith.index_cast %get3A_957 : i32 to index
      %get3A_960 = arith.constant 0 : index
      %get3A_961 = tpu.vector_load %arg10[%get3A_958, %get3A_959, %get3A_960] {strides = array<i32>} : memref<16x2x16xf32, #tpu.memory_space<vmem>>, vector<16xf32>,
      %get3A_962 = arith.constant 13 : i32
      %get3A_963 = arith.constant 1 : i32
      %get3A_964 = arith.index_cast %get3A_962 : i32 to index
      %get3A_965 = arith.index_cast %get3A_963 : i32 to index
      %get3A_966 = arith.constant 0 : index
      %get3A_967 = tpu.vector_load %arg10[%get3A_964, %get3A_965, %get3A_966] {strides = array<i32>} : memref<16x2x16xf32, #tpu.memory_space<vmem>>, vector<16xf32>,
      %bitcast3A_968 = vector.bitcast %get3A_967 : vector<16xf32> to vector<16xi32>
      %gt3A_969 = arith.cmpf ogt, %get3A_961, %select_n3A_954 : vector<16xf32>
      %eq3A_970 = arith.cmpf oeq, %get3A_961, %select_n3A_954 : vector<16xf32>
      %lt3A_971 = arith.cmpi slt, %bitcast3A_968, %select_n3A_955 : vector<16xi32>
      %and3A_972 = arith.andi %eq3A_970, %lt3A_971 : vector<16xi1>
      %or3A_973 = arith.ori %gt3A_969, %and3A_972 : vector<16xi1>
      %select_n3A_974 = arith.select %or3A_973, %get3A_961, %select_n3A_954 : vector<16xi1>, vector<16xf32>
      %select_n3A_975 = arith.select %or3A_973, %bitcast3A_968, %select_n3A_955 : vector<16xi1>, vector<16xi32>
      %get3A_976 = arith.constant 14 : i32
      %get3A_977 = arith.constant 0 : i32
      %get3A_978 = arith.index_cast %get3A_976 : i32 to index
      %get3A_979 = arith.index_cast %get3A_977 : i32 to index
      %get3A_980 = arith.constant 0 : index
      %get3A_981 = tpu.vector_load %arg10[%get3A_978, %get3A_979, %get3A_980] {strides = array<i32>} : memref<16x2x16xf32, #tpu.memory_space<vmem>>, vector<16xf32>,
      %get3A_982 = arith.constant 14 : i32
      %get3A_983 = arith.constant 1 : i32
      %get3A_984 = arith.index_cast %get3A_982 : i32 to index
      %get3A_985 = arith.index_cast %get3A_983 : i32 to index
      %get3A_986 = arith.constant 0 : index
      %get3A_987 = tpu.vector_load %arg10[%get3A_984, %get3A_985, %get3A_986] {strides = array<i32>} : memref<16x2x16xf32, #tpu.memory_space<vmem>>, vector<16xf32>,
      %bitcast3A_988 = vector.bitcast %get3A_987 : vector<16xf32> to vector<16xi32>
      %gt3A_989 = arith.cmpf ogt, %get3A_981, %select_n3A_974 : vector<16xf32>
      %eq3A_990 = arith.cmpf oeq, %get3A_981, %select_n3A_974 : vector<16xf32>
      %lt3A_991 = arith.cmpi slt, %bitcast3A_988, %select_n3A_975 : vector<16xi32>
      %and3A_992 = arith.andi %eq3A_990, %lt3A_991 : vector<16xi1>
      %or3A_993 = arith.ori %gt3A_989, %and3A_992 : vector<16xi1>
      %select_n3A_994 = arith.select %or3A_993, %get3A_981, %select_n3A_974 : vector<16xi1>, vector<16xf32>
      %select_n3A_995 = arith.select %or3A_993, %bitcast3A_988, %select_n3A_975 : vector<16xi1>, vector<16xi32>
      %get3A_996 = arith.constant 15 : i32
      %get3A_997 = arith.constant 0 : i32
      %get3A_998 = arith.index_cast %get3A_996 : i32 to index
      %get3A_999 = arith.index_cast %get3A_997 : i32 to index
      %get3A_1000 = arith.constant 0 : index
      %get3A_1001 = tpu.vector_load %arg10[%get3A_998, %get3A_999, %get3A_1000] {strides = array<i32>} : memref<16x2x16xf32, #tpu.memory_space<vmem>>, vector<16xf32>,
      %get3A_1002 = arith.constant 15 : i32
      %get3A_1003 = arith.constant 1 : i32
      %get3A_1004 = arith.index_cast %get3A_1002 : i32 to index
      %get3A_1005 = arith.index_cast %get3A_1003 : i32 to index
      %get3A_1006 = arith.constant 0 : index
      %get3A_1007 = tpu.vector_load %arg10[%get3A_1004, %get3A_1005, %get3A_1006] {strides = array<i32>} : memref<16x2x16xf32, #tpu.memory_space<vmem>>, vector<16xf32>,
      %bitcast3A_1008 = vector.bitcast %get3A_1007 : vector<16xf32> to vector<16xi32>
      %gt3A_1009 = arith.cmpf ogt, %get3A_1001, %select_n3A_994 : vector<16xf32>
      %eq3A_1010 = arith.cmpf oeq, %get3A_1001, %select_n3A_994 : vector<16xf32>
      %lt3A_1011 = arith.cmpi slt, %bitcast3A_1008, %select_n3A_995 : vector<16xi32>
      %and3A_1012 = arith.andi %eq3A_1010, %lt3A_1011 : vector<16xi1>
      %or3A_1013 = arith.ori %gt3A_1009, %and3A_1012 : vector<16xi1>
      %select_n3A_1014 = arith.select %or3A_1013, %get3A_1001, %select_n3A_994 : vector<16xi1>, vector<16xf32>
      %select_n3A_1015 = arith.select %or3A_1013, %bitcast3A_1008, %select_n3A_995 : vector<16xi1>, vector<16xi32>
      %reduce_max3A = arith.constant true
      %reduce_max3A_1016 = vector.broadcast %reduce_max3A : i1 to vector<16xi1>
      %reduce_max3A_1017 = tpu.scan <max>, %select_n3A_1014 masked %reduce_max3A_1016 : vector<16xf32>, vector<16xi1> -> vector<16xf32>
      %reduce_max3A_1018 = vector.extract %reduce_max3A_1017[15] : f32 from vector<16xf32>
      %eq3A_1019 = vector.broadcast %reduce_max3A_1018 : f32 to vector<16xf32>
      %eq3A_1020 = arith.cmpf oeq, %select_n3A_1014, %eq3A_1019 : vector<16xf32>
      %jit3A = arith.constant 1073741824 : i32
      %broadcast_in_dim3A_1021 = vector.broadcast %jit3A : i32 to vector<16xi32>
      %select_n3A_1022 = arith.select %eq3A_1020, %select_n3A_1015, %broadcast_in_dim3A_1021 : vector<16xi1>, vector<16xi32>
      %reduce_min3A = arith.constant true
      %reduce_min3A_1023 = vector.broadcast %reduce_min3A : i1 to vector<16xi1>
      %reduce_min3A_1024 = arith.constant -2147483648 : i32
      %reduce_min3A_1025 = vector.broadcast %reduce_min3A_1024 : i32 to vector<16xi32>
      %reduce_min3A_1026 = arith.xori %select_n3A_1022, %reduce_min3A_1025 : vector<16xi32>
      %reduce_min3A_1027 = tpu.scan <min>, %reduce_min3A_1026 masked %reduce_min3A_1023 : vector<16xi32>, vector<16xi1> -> vector<16xi32>
      %reduce_min3A_1028 = arith.xori %reduce_min3A_1027, %reduce_min3A_1025 : vector<16xi32>
      %reduce_min3A_1029 = vector.extract %reduce_min3A_1028[15] : i32 from vector<16xi32>
      %jit3A_1030 = arith.constant 256 : i32
      %div3A_1031 = arith.divsi %reduce_min3A_1029, %jit3A_1030 : i32
      %sign3A = arith.constant 0 : i32
      %sign3A_1032 = arith.cmpi sgt, %reduce_min3A_1029, %sign3A : i32
      %sign3A_1033 = arith.extui %sign3A_1032 : i1 to i32
      %sign3A_1034 = arith.constant 0 : i32
      %sign3A_1035 = arith.cmpi slt, %reduce_min3A_1029, %sign3A_1034 : i32
      %sign3A_1036 = arith.extui %sign3A_1035 : i1 to i32
      %sign3A_1037 = arith.subi %sign3A_1033, %sign3A_1036 : i32
      %sign3A_1038 = arith.constant 0 : i32
      %sign3A_1039 = arith.cmpi sgt, %jit3A_1030, %sign3A_1038 : i32
      %sign3A_1040 = arith.extui %sign3A_1039 : i1 to i32
      %sign3A_1041 = arith.constant 0 : i32
      %sign3A_1042 = arith.cmpi slt, %jit3A_1030, %sign3A_1041 : i32
      %sign3A_1043 = arith.extui %sign3A_1042 : i1 to i32
      %sign3A_1044 = arith.subi %sign3A_1040, %sign3A_1043 : i32
      %ne3A = arith.cmpi ne, %sign3A_1037, %sign3A_1044 : i32
      %rem3A = arith.remsi %reduce_min3A_1029, %jit3A_1030 : i32
      %ne3A_1045 = arith.constant 0 : i32
      %ne3A_1046 = arith.cmpi ne, %rem3A, %ne3A_1045 : i32
      %and3A_1047 = arith.andi %ne3A, %ne3A_1046 : i1
      %sub3A_1048 = arith.constant 1 : i32
      %sub3A_1049 = arith.subi %div3A_1031, %sub3A_1048 : i32
      %select_n3A_1050 = arith.select %and3A_1047, %sub3A_1049, %div3A_1031 : i32
      %mul3A_1051 = arith.constant 256 : i32
      %mul3A_1052 = arith.muli %select_n3A_1050, %mul3A_1051 : i32
      %sub3A_1053 = arith.subi %reduce_min3A_1029, %mul3A_1052 : i32
      %eq3A_1054 = arith.constant 0 : i32
      %eq3A_1055 = vector.broadcast %eq3A_1054 : i32 to vector<16xi32>
      %eq3A_1056 = arith.cmpi eq, %iota3A, %eq3A_1055 : vector<16xi32>
      %eq3A_1057 = arith.constant 1 : i32
      %eq3A_1058 = vector.broadcast %eq3A_1057 : i32 to vector<16xi32>
      %eq3A_1059 = arith.cmpi eq, %iota3A, %eq3A_1058 : vector<16xi32>
      %jit3A_1060 = arith.constant 0 : i32
      %broadcast_in_dim3A_1061 = vector.broadcast %sub3A_1053 : i32 to vector<16xi32>
      %broadcast_in_dim3A_1062 = vector.broadcast %jit3A_1060 : i32 to vector<16xi32>
      %select_n3A_1063 = arith.select %eq3A_1059, %broadcast_in_dim3A_1061, %broadcast_in_dim3A_1062 : vector<16xi1>, vector<16xi32>
      %broadcast_in_dim3A_1064 = vector.broadcast %select_n3A_1050 : i32 to vector<16xi32>
      %select_n3A_1065 = arith.select %eq3A_1056, %broadcast_in_dim3A_1064, %select_n3A_1063 : vector<16xi1>, vector<16xi32>
      %swap3A_1066 = arith.constant 0 : index
      %swap3A_1067 = tpu.vector_load %arg11[%swap3A_1066] {strides = array<i32>} : memref<16xi32, #tpu.memory_space<vmem>>, vector<16xi32>,
      tpu.vector_store %arg11[%swap3A_1066], %select_n3A_1065 {strides = array<i32>} : memref<16xi32, #tpu.memory_space<vmem>>, vector<16xi32>,
      "tpu.region"() ({
        %run_scoped3A = tpu.sem_alloc : memref<!tpu.dma_semaphore, #tpu.memory_space<semaphore_mem>>
        tpu.enqueue_dma source(%arg11 : memref<16xi32, #tpu.memory_space<vmem>>) target(%arg3 : memref<16xi32, #tpu.memory_space<hbm>>) target_semaphore(%run_scoped3A : memref<!tpu.dma_semaphore, #tpu.memory_space<semaphore_mem>>)
        tpu.wait_dma2 semaphore(%run_scoped3A : memref<!tpu.dma_semaphore, #tpu.memory_space<semaphore_mem>>) src(%arg11 : memref<16xi32, #tpu.memory_space<vmem>>) dst(%arg3 : memref<16xi32, #tpu.memory_space<hbm>>)
        tpu.yield
      }) : () -> ()
    } else {
    }
    return
  }
}

</mosaic_0001>

<sc_bundles>
// kernel: kernel.3.cloned.1.call-start
scs
__scs_entry_jumppad:
0x0: {  	(pc) =	sbr.rel $0x88, $3  }
0x1: {  	(tag) =	ssettag $0x0;
	lr =	simm.s32 $0x1  }
0x2: {  	[smem:$0x3FA0] =	sst lr;
	_ =	strace $0xD0000000  }
0x3: {  	_ = 	snop  }
0x4: {  	_ = 	snop  }
0x5: {  	_ = 	snop  }
0x6: {  	_ = 	snop  }
0x7: {  	_ = 	snop  }
__scs_overlays_trampoline_lowered:
0x8: {  	[smem:$0x3FAF] =	sst s0  }
0x9: {  	[smem:$0x3FB0] =	sst s1  }
0xa: {  	[smem:$0x3FB1] =	sst s2  }
0xb: {  	[smem:$0x3FB2] =	sst s3  }
0xc: {  	[smem:$0x3FB3] =	sst s4  }
0xd: {  	[smem:$0x3FB4] =	sst s5  }
0xe: {  	[smem:$0x3FB5] =	sst s6  }
0xf: {  	[smem:$0x3FB6] =	sst s7  }
0x10: {  	[smem:$0x3FB7] =	sst s8  }
0x11: {  	[smem:$0x3FB8] =	sst s9;
	s0 =	simm.s32 @!p0 $0x0  }
0x12: {  	s1 =	sld [smem:$0x3F9E];
	s0 =	simm.s32 @p0 $0x1  }
0x13: {  	[smem:$0x3FB9] =	sst s0;
	s0 =	simm.s32 @!p1 $0x0  }
0x14: {  	s2 =	sld [smem:$0x3F9D];
	s0 =	simm.s32 @p1 $0x1  }
0x15: {  	[smem:$0x3FBA] =	sst s0;
	s0 =	simm.s32 @!p2 $0x0  }
0x16: {  	s3 =	sld [smem:$0x3FDB];
	s0 =	simm.s32 @p2 $0x1  }
0x17: {  	s4 =	simm.s32 $0x1BF5;
	[smem:$0x3FBC] =	sst s0  }
0x18: {  	s0 =	sld [smem:$0x3F9F];
	_ =	swait.ge [sflag:s4], $0x0  }
0x19: {  	s7 =	sld [smem:$0x3FA0]  }
0x1a: {  	s8 =	sadd.s32 $0xFFFFE003, lr  }
0x1b: {  	s9 =	sadd.s32 $0xFFFFFEF7, lr;
	s5 =	simm.s32 $0xFFFFFFFF;
	p2 =	slt.u32 s8, $0xFFFFF086  }
0x1c: {  	p1 =	slt.u32 s9, $0xF7A;
	s5 =	simm.s32 @!p2 $0x0  }
0x1d: {  	s5 =	simm.s32 @p1 $0x1;
	p0 =	seq.s32 s7, s2  }
0x1e: {  	s7 =	smul.u32 @!p0 $0xF7A, s2;
	p2 =	seq.s32 @!p0 s5, $0x0  }
0x1f: {  	s9 =	smul.u32 $0xF7A, s1;
	s8 =	simm.s32 @!p0 $0x1BF5;
	p2 =	por !p2, p0  }
0x20: {  	[sflag:s8] =	ssyncset.s32 @!p0 $0xFFFFF086;
	s6 =	sadd.s32 @!p0 s3, s7;
	s7 =	simm.s32 @!p0 $0x108  }
0x21: {  	s3 =	sadd.s32 s3, s9;
	s6 =	sadd.s32 @!p0 $0x88, s6;
	s7 =	simm.s32 @p2 $0x1082  }
0x22: {  	[simem:s7], [sflag:s8] =	dma.local @!p0 [hbm:s6], $0xF7A  }
0x23: {  	s9 =	sor.u32 $0xD0000000, s2;
	s6 =	simm.s32 $0x108;
	_ =	swait.ge @!p0 [sflag:s8], $0x0  }
0x24: {  	s3 =	sadd.s32 $0x88, s3;
	s6 =	simm.s32 @!p1 $0x1082;
	[sflag:s4] =	ssyncset.s32 $0xFFFFF086  }
0x25: {  	[simem:s6], [sflag:s4] =	dma.local [hbm:s3], $0xF7A  }
0x26: {  	[smem:$0x3FA0] =	sst s1;
	(tag) =	ssettag s2;
	_ =	strace s9  }
0x27: {  	s1 =	sld [smem:$0x3FB0]  }
0x28: {  	s2 =	sld [smem:$0x3FB1]  }
0x29: {  	s4 =	sld [smem:$0x3FB3]  }
0x2a: {  	p0 =	seq.s32 s5, $0x0;
	s5 =	sld [smem:$0x3FB4]  }
0x2b: {  	s6 =	sld [smem:$0x3FB5]  }
0x2c: {  	s7 =	sld [smem:$0x3FB6]  }
0x2d: {  	s3 =	simm.s32 $0x108;
	s8 =	sld [smem:$0x3FB7]  }
0x2e: {  	s3 =	simm.s32 @!p0 $0x1082;
	s9 =	sld [smem:$0x3FB8]  }
0x2f: {  	lr =	sadd.s32 s0, s3;
	s0 =	sld [smem:$0x3FAF]  }
0x30: {  	s3 =	sld [smem:$0x3FB2]  }
0x31: {  	[smem:$0x3FBB] =	sst s10  }
0x32: {  	s10 =	sld [smem:$0x3FB9];
	_ =	sdelay $0x3  }
0x33: {  	p0 =	seq.s32 s10, $0x1;
	s10 =	sld [smem:$0x3FBB];
	_ =	sdelay $0x3  }
0x34: {  	[smem:$0x3FBB] =	sst s10  }
0x35: {  	s10 =	sld [smem:$0x3FBA];
	_ =	sdelay $0x3  }
0x36: {  	p1 =	seq.s32 s10, $0x1;
	s10 =	sld [smem:$0x3FBB];
	_ =	sdelay $0x3  }
0x37: {  	[smem:$0x3FBB] =	sst s10  }
0x38: {  	s10 =	sld [smem:$0x3FBC]  }
0x39: {  	_ = 	snop;
	(pc) =	sbr.ind lr, $3  }
0x3a: {  	_ = 	snop  }
0x3b: {  	_ = 	snop  }
0x3c: {  	p2 =	seq.s32 s10, $0x1;
	s10 =	sld [smem:$0x3FBB]  }
0x3d: {  	_ =	shalt  }
0x3e: {  	_ =	shalt  }
0x3f: {  	_ =	shalt  }
0x40: {  	_ =	shalt  }
0x41: {  	_ =	shalt  }
0x42: {  	_ =	shalt  }
0x43: {  	_ =	shalt  }
0x44: {  	_ =	shalt  }
0x45: {  	_ =	shalt  }
0x46: {  	_ =	shalt  }
0x47: {  	_ =	shalt  }
0x48: {  	_ =	shalt  }
0x49: {  	_ =	shalt  }
0x4a: {  	_ =	shalt  }
0x4b: {  	_ =	shalt  }
0x4c: {  	_ =	shalt  }
0x4d: {  	_ =	shalt  }
0x4e: {  	_ =	shalt  }
0x4f: {  	_ =	shalt  }
0x50: {  	_ =	shalt  }
0x51: {  	_ =	shalt  }
0x52: {  	_ =	shalt  }
0x53: {  	_ =	shalt  }
0x54: {  	_ =	shalt  }
0x55: {  	_ =	shalt  }
0x56: {  	_ =	shalt  }
0x57: {  	_ =	shalt  }
0x58: {  	_ =	shalt  }
0x59: {  	_ =	shalt  }
0x5a: {  	_ =	shalt  }
0x5b: {  	_ =	shalt  }
0x5c: {  	_ =	shalt  }
0x5d: {  	_ =	shalt  }
0x5e: {  	_ =	shalt  }
0x5f: {  	_ =	shalt  }
0x60: {  	_ =	shalt  }
0x61: {  	_ =	shalt  }
0x62: {  	_ =	shalt  }
0x63: {  	_ =	shalt  }
0x64: {  	_ =	shalt  }
0x65: {  	_ =	shalt  }
0x66: {  	_ =	shalt  }
0x67: {  	_ =	shalt  }
0x68: {  	_ =	shalt  }
0x69: {  	_ =	shalt  }
0x6a: {  	_ =	shalt  }
0x6b: {  	_ =	shalt  }
0x6c: {  	_ =	shalt  }
0x6d: {  	_ =	shalt  }
0x6e: {  	_ =	shalt  }
0x6f: {  	_ =	shalt  }
0x70: {  	_ =	shalt  }
0x71: {  	_ =	shalt  }
0x72: {  	_ =	shalt  }
0x73: {  	_ =	shalt  }
0x74: {  	_ =	shalt  }
0x75: {  	_ =	shalt  }
0x76: {  	_ =	shalt  }
0x77: {  	_ =	shalt  }
0x78: {  	_ =	shalt  }
0x79: {  	_ =	shalt  }
0x7a: {  	_ =	shalt  }
0x7b: {  	_ =	shalt  }
0x7c: {  	_ =	shalt  }
0x7d: {  	_ =	shalt  }
0x7e: {  	_ =	shalt  }
0x7f: {  	_ =	shalt  }
0x80: {  	_ =	shalt  }
0x81: {  	_ =	shalt  }
0x82: {  	_ =	shalt  }
0x83: {  	_ =	shalt  }
0x84: {  	_ =	shalt  }
0x85: {  	_ =	shalt  }
0x86: {  	_ =	shalt  }
0x87: {  	_ =	shalt  }
.Lfunc_end0:
.L_simem_size_0:
called_computation_lowered:
.L_overlay_start_0:
0x88: {  	s2 =	sld [smem:$0x3FD9]  }
0x89: {  	s3 =	sld [smem:$0x3FFE];
	_ =	sdelay $0x1  }
0x8a: {  	s1 =	srdreg.scid  }
0x8b: {  	s0 =	sand.u32 $0x1, s1  }
0x8c: {  	s18 =	sshll.u32 s0, $0xA;
	s2 =	sadd.s32 s3, s2  }
0x8d: {  	s3 =	sadd.s32 s2, s18  }
0x8e: {  	[smem:$0x3FC7] =	sst s3  }
0x8f: {  	_ = 	snop  }
0x90: {  	s3 =	sld [smem:$0x3FC9];
	(tm) =	ssettm $0x1  }
0x91: {  	s4 =	sld [smem:$0x3FFB];
	_ =	sdelay $0x3  }
0x92: {  	_ =	strace s4  }
0x93: {  	s4 =	sld [smem:$0x3FFC];
	_ =	sdelay $0x3  }
0x94: {  	_ =	strace s4  }
0x95: {  	s4 =	sld [smem:$0x3FFD];
	_ =	sdelay $0x3  }
0x96: {  	_ =	strace s4  }
0x97: {  	_ =	strace $0x8FFFFFFF  }
0x98: {  	s19 =	sld [smem:$0x3FDB];
	_ =	sdelay $0x1  }
0x99: {  	s5 =	simm.s32 $_scs_section_size  }
0x9a: {  	s6 =	simm.s32 $_size__tile_overlayer_lowered;
	s7 =	simm.s32 $_tile_overlayer_lowered  }
0x9b: {  	s22 =	simm.s32 $0x1BFF;
	s21 =	sshll.u32 s7, $0x1;
	s4 =	sadd.s32 s5, s19  }
0x9c: {  	s8 =	simm.s32 $0x0;
	s20 =	sshll.u32 s6, $0x1;
	s6 =	sadd.s32 s21, s4  }
0x9d: {  	[timem:s8], [sflag:s22] =	dma.local [hbm:s6], s20  }
0x9e: {  	_ =	swait.ge [sflag:s22], s20  }
0x9f: {  	s5 =	ssub.s32 $0x0, s20;
	[sflag:s22] =	ssyncset.done $0x0  }
0xa0: {  	[sflag:s22] =	ssyncadd.s32 s5;
	_ =	sdelay $0x1  }
0xa1: {  	s23 =	simm.s32 $0x1B8B  }
0xa2: {  	_ =	swait.ge [sflag:s23], $0x1  }
0xa3: {  	[sflag:s23] =	ssyncset.done $0x0  }
0xa4: {  	s25 =	simm.s32 $0x1B8E;
	s24 =	sld [smem:$0x3FFE];
	[sflag:s23] =	ssyncadd.s32 $0xFFFFFFFF  }
0xa5: {  	s26 =	simm.s32 $execute0_lowered;
	[smem:$0x3FD2] =	sst s25  }
0xa6: {  	s6 =	sshll.u32 s26, $0x1;
	_ =	strace $0x80000046;
	[dreg:$0x1] =	wrdreg $0xFFFFFFFF  }
0xa7: {  	s28 =	simm.s32 $_size_execute0_lowered;
	s4 =	sadd.s32 s4, s6;
	[dreg:$0x0] =	wrdreg $0x0  }
0xa8: {  	s6 =	sshll.u32 s28, $0x1;
	[dreg:$0x2] =	wrdreg s4  }
0xa9: {  	[dreg:$0x3] =	wrdreg s6  }
0xaa: {  	[dreg:$0x4] =	wrdreg $0xC0  }
0xab: {  	_ =	task [dreg:s8], $0x5FFFF  }
0xac: {  	[dreg:$0x1] =	wrdreg $0xFFFFFFFF  }
0xad: {  	[dreg:$0x0] =	wrdreg $0x60  }
0xae: {  	[dreg:$0x2] =	wrdreg s3  }
0xaf: {  	s2 =	sadd.s32 $0x800, s2;
	[dreg:$0x3] =	wrdreg s24  }
0xb0: {  	[dreg:$0x4] =	wrdreg s2  }
0xb1: {  	[dreg:$0x5] =	wrdreg $0x9  }
0xb2: {  	_ =	task.clear_ibuf [dreg:s8], $0x6FFFF;
	_ =	strace $0x90000046  }
0xb3: {  	s29 =	simm.s32 $0x9;
	_ =	strace $0x80000048  }
0xb4: {  	_ =	swait.ge [sflag:s29], $0x1  }
0xb5: {  	[sflag:s29] =	ssyncadd.s32 $0xFFFFFFFF  }
0xb6: {  	_ =	strace $0x90000048  }
0xb7: {  	_ =	sfence  }
0xb8: {  	s30 =	sld [smem:$0x0];
	_ =	sdelay $0x2  }
0xb9: {  	s31 =	sshll.u32 s1, $0xD;
	s1 =	sshrl.u32 s1, $0x2  }
0xba: {  	s3 =	sand.u32 $0x4000, s31;
	s1 =	sadd.s32 s1, s30  }
0xbb: {  	s0 =	sor.u32 s3, s0;
	s1 =	sshll.u32 s1, $0x11  }
0xbc: {  	s0 =	sor.u32 s1, s0  }
0xbd: {  	s0 =	sadd.s32 $0x8F2B, s0  }
0xbe: {  	[sflag:s0] =	ssyncadd.remote.s32 $0x1  }
0xbf: {  	_ =	sfence.sel $0xFFFF  }
0xc0: {  	[dreg:$0x0] =	wrdreg $0xFFFFFFFF;
	(pc) =	sbr.abs _section_cstart, $3  }
0xc1: {  	[dreg:$0x1] =	wrdreg $0xFFFFFFFF  }
0xc2: {  	_ =	task.clear_ibuf [dreg:s8], $0x2FFFF;
	_ =	strace $0x9FFFFFFF  }
0xc3: {  	(tm) =	ssettm $0x7FFFFFFF  }
tec
execute0_lowered:
.L_overlay_start_1:
0x0: {  	(tag) =	ssettag $0x1  }
0x1: {  	v0 =	vimm.f32 $1.500000000e+01;
	vm0 =	vcmask $0x300  }
0x2: {  	vm1 =	vcmask $0x704;
	vm14 =	vcmask $0xB08;
	vm13 =	vcmask $0xF0C  }
0x3: {  	vm12 =	vcmask $0x1310;
	vm11 =	vcmask $0x1714;
	vm10 =	vcmask $0x1B18  }
0x4: {  	vm9 =	vcmask $0x1F1C;
	vm8 =	vcmask $0x2320;
	vm7 =	vcmask $0x2724  }
0x5: {  	vm6 =	vcmask $0x2B28;
	vm5 =	vcmask $0x2F2C;
	vm4 =	vcmask $0x3330  }
0x6: {  	vm3 =	vcmask $0x3734;
	vm2 =	vcmask $0x3B38;
	v1 =	vimm.f32 $3.100000000e+01  }
0x7: {  	v2 =	vimm.f32 $4.700000000e+01;
	v3 =	vimm.f32 $6.300000000e+01;
	v4 =	vimm.f32 $7.900000000e+01  }
0x8: {  	v5 =	vimm.f32 $9.500000000e+01;
	v6 =	vimm.f32 $1.110000000e+02;
	v7 =	vimm.f32 $1.270000000e+02  }
0x9: {  	v8 =	vimm.f32 $1.430000000e+02;
	v9 =	vimm.f32 $1.590000000e+02;
	v10 =	vimm.f32 $1.750000000e+02  }
0xa: {  	v11 =	vimm.f32 $1.910000000e+02;
	v12 =	vimm.f32 $2.070000000e+02;
	v13 =	vimm.f32 $2.230000000e+02  }
0xb: {  	v14 =	vimm.f32 $2.390000000e+02;
	v15 =	vimm.f32 $2.550000000e+02;
	v16 =	vlaneseq.u32  }
0xc: {  	v0 =	vsel vm0, $0x0, v0;
	v1 =	vsel vm0, $0x41800000, v1;
	v2 =	vsel vm0, $0x42000000, v2  }
0xd: {  	v3 =	vsel vm0, $0x42400000, v3;
	v4 =	vsel vm0, $0x42800000, v4;
	v5 =	vsel vm0, $0x42A00000, v5  }
0xe: {  	v6 =	vsel vm0, $0x42C00000, v6;
	v7 =	vsel vm0, $0x42E00000, v7;
	v8 =	vsel vm0, $0x43000000, v8  }
0xf: {  	v9 =	vsel vm0, $0x43100000, v9;
	v10 =	vsel vm0, $0x43200000, v10;
	v11 =	vsel vm0, $0x43300000, v11  }
0x10: {  	v12 =	vsel vm0, $0x43400000, v12;
	v13 =	vsel vm0, $0x43500000, v13;
	v14 =	vsel vm0, $0x43600000, v14  }
0x11: {  	v15 =	vsel vm0, $0x43700000, v15;
	v0 =	vsel vm1, $0x3F800000, v0;
	v1 =	vsel vm1, $0x41880000, v1  }
0x12: {  	v2 =	vsel vm1, $0x42040000, v2;
	v3 =	vsel vm1, $0x42440000, v3;
	v4 =	vsel vm1, $0x42820000, v4  }
0x13: {  	v5 =	vsel vm1, $0x42A20000, v5;
	v6 =	vsel vm1, $0x42C20000, v6;
	v7 =	vsel vm1, $0x42E20000, v7  }
0x14: {  	v8 =	vsel vm1, $0x43010000, v8;
	v9 =	vsel vm1, $0x43110000, v9;
	v10 =	vsel vm1, $0x43210000, v10  }
0x15: {  	v11 =	vsel vm1, $0x43310000, v11;
	v12 =	vsel vm1, $0x43410000, v12;
	v13 =	vsel vm1, $0x43510000, v13  }
0x16: {  	v14 =	vsel vm1, $0x43610000, v14;
	v15 =	vsel vm1, $0x43710000, v15;
	v0 =	vsel vm14, $0x40000000, v0  }
0x17: {  	v1 =	vsel vm14, $0x41900000, v1;
	v2 =	vsel vm14, $0x42080000, v2;
	v3 =	vsel vm14, $0x42480000, v3  }
0x18: {  	v4 =	vsel vm14, $0x42840000, v4;
	v5 =	vsel vm14, $0x42A40000, v5;
	v6 =	vsel vm14, $0x42C40000, v6  }
0x19: {  	v7 =	vsel vm14, $0x42E40000, v7;
	v8 =	vsel vm14, $0x43020000, v8;
	v9 =	vsel vm14, $0x43120000, v9  }
0x1a: {  	v10 =	vsel vm14, $0x43220000, v10;
	v11 =	vsel vm14, $0x43320000, v11;
	v12 =	vsel vm14, $0x43420000, v12  }
0x1b: {  	v13 =	vsel vm14, $0x43520000, v13;
	v14 =	vsel vm14, $0x43620000, v14;
	v15 =	vsel vm14, $0x43720000, v15  }
0x1c: {  	v0 =	vsel vm13, $0x40400000, v0;
	v1 =	vsel vm13, $0x41980000, v1;
	v2 =	vsel vm13, $0x420C0000, v2  }
0x1d: {  	v3 =	vsel vm13, $0x424C0000, v3;
	v4 =	vsel vm13, $0x42860000, v4;
	v5 =	vsel vm13, $0x42A60000, v5  }
0x1e: {  	v6 =	vsel vm13, $0x42C60000, v6;
	v7 =	vsel vm13, $0x42E60000, v7;
	v8 =	vsel vm13, $0x43030000, v8  }
0x1f: {  	v9 =	vsel vm13, $0x43130000, v9;
	v10 =	vsel vm13, $0x43230000, v10;
	v11 =	vsel vm13, $0x43330000, v11  }
0x20: {  	v12 =	vsel vm13, $0x43430000, v12;
	v13 =	vsel vm13, $0x43530000, v13;
	v14 =	vsel vm13, $0x43630000, v14  }
0x21: {  	v15 =	vsel vm13, $0x43730000, v15;
	v0 =	vsel vm12, $0x40800000, v0;
	v1 =	vsel vm12, $0x41A00000, v1  }
0x22: {  	v2 =	vsel vm12, $0x42100000, v2;
	v3 =	vsel vm12, $0x42500000, v3;
	v4 =	vsel vm12, $0x42880000, v4  }
0x23: {  	v5 =	vsel vm12, $0x42A80000, v5;
	v6 =	vsel vm12, $0x42C80000, v6;
	v7 =	vsel vm12, $0x42E80000, v7  }
0x24: {  	v8 =	vsel vm12, $0x43040000, v8;
	v9 =	vsel vm12, $0x43140000, v9;
	v10 =	vsel vm12, $0x43240000, v10  }
0x25: {  	v11 =	vsel vm12, $0x43340000, v11;
	v12 =	vsel vm12, $0x43440000, v12;
	v13 =	vsel vm12, $0x43540000, v13  }
0x26: {  	v14 =	vsel vm12, $0x43640000, v14;
	v15 =	vsel vm12, $0x43740000, v15;
	v0 =	vsel vm11, $0x40A00000, v0  }
0x27: {  	v1 =	vsel vm11, $0x41A80000, v1;
	v2 =	vsel vm11, $0x42140000, v2;
	v3 =	vsel vm11, $0x42540000, v3  }
0x28: {  	v4 =	vsel vm11, $0x428A0000, v4;
	v5 =	vsel vm11, $0x42AA0000, v5;
	v6 =	vsel vm11, $0x42CA0000, v6  }
0x29: {  	v7 =	vsel vm11, $0x42EA0000, v7;
	v8 =	vsel vm11, $0x43050000, v8;
	v9 =	vsel vm11, $0x43150000, v9  }
0x2a: {  	v10 =	vsel vm11, $0x43250000, v10;
	v11 =	vsel vm11, $0x43350000, v11;
	v12 =	vsel vm11, $0x43450000, v12  }
0x2b: {  	v13 =	vsel vm11, $0x43550000, v13;
	v14 =	vsel vm11, $0x43650000, v14;
	v15 =	vsel vm11, $0x43750000, v15  }
0x2c: {  	v0 =	vsel vm10, $0x40C00000, v0;
	v1 =	vsel vm10, $0x41B00000, v1;
	v2 =	vsel vm10, $0x42180000, v2  }
0x2d: {  	v3 =	vsel vm10, $0x42580000, v3;
	v4 =	vsel vm10, $0x428C0000, v4;
	v5 =	vsel vm10, $0x42AC0000, v5  }
0x2e: {  	v6 =	vsel vm10, $0x42CC0000, v6;
	v7 =	vsel vm10, $0x42EC0000, v7;
	v8 =	vsel vm10, $0x43060000, v8  }
0x2f: {  	v9 =	vsel vm10, $0x43160000, v9;
	v10 =	vsel vm10, $0x43260000, v10;
	v11 =	vsel vm10, $0x43360000, v11  }
0x30: {  	v12 =	vsel vm10, $0x43460000, v12;
	v13 =	vsel vm10, $0x43560000, v13;
	v14 =	vsel vm10, $0x43660000, v14  }
0x31: {  	v15 =	vsel vm10, $0x43760000, v15;
	v0 =	vsel vm9, $0x40E00000, v0;
	v1 =	vsel vm9, $0x41B80000, v1  }
0x32: {  	v2 =	vsel vm9, $0x421C0000, v2;
	v3 =	vsel vm9, $0x425C0000, v3;
	v4 =	vsel vm9, $0x428E0000, v4  }
0x33: {  	v5 =	vsel vm9, $0x42AE0000, v5;
	v6 =	vsel vm9, $0x42CE0000, v6;
	v7 =	vsel vm9, $0x42EE0000, v7  }
0x34: {  	v8 =	vsel vm9, $0x43070000, v8;
	v9 =	vsel vm9, $0x43170000, v9;
	v10 =	vsel vm9, $0x43270000, v10  }
0x35: {  	v11 =	vsel vm9, $0x43370000, v11;
	v12 =	vsel vm9, $0x43470000, v12;
	v13 =	vsel vm9, $0x43570000, v13  }
0x36: {  	v14 =	vsel vm9, $0x43670000, v14;
	v15 =	vsel vm9, $0x43770000, v15;
	v0 =	vsel vm8, $0x41000000, v0  }
0x37: {  	v1 =	vsel vm8, $0x41C00000, v1;
	v2 =	vsel vm8, $0x42200000, v2;
	v3 =	vsel vm8, $0x42600000, v3  }
0x38: {  	v4 =	vsel vm8, $0x42900000, v4;
	v5 =	vsel vm8, $0x42B00000, v5;
	v6 =	vsel vm8, $0x42D00000, v6  }
0x39: {  	v7 =	vsel vm8, $0x42F00000, v7;
	v8 =	vsel vm8, $0x43080000, v8;
	v9 =	vsel vm8, $0x43180000, v9  }
0x3a: {  	v10 =	vsel vm8, $0x43280000, v10;
	v11 =	vsel vm8, $0x43380000, v11;
	v12 =	vsel vm8, $0x43480000, v12  }
0x3b: {  	v13 =	vsel vm8, $0x43580000, v13;
	v14 =	vsel vm8, $0x43680000, v14;
	v15 =	vsel vm8, $0x43780000, v15  }
0x3c: {  	v0 =	vsel vm7, $0x41100000, v0;
	v1 =	vsel vm7, $0x41C80000, v1;
	v2 =	vsel vm7, $0x42240000, v2  }
0x3d: {  	v3 =	vsel vm7, $0x42640000, v3;
	v4 =	vsel vm7, $0x42920000, v4;
	v5 =	vsel vm7, $0x42B20000, v5  }
0x3e: {  	v6 =	vsel vm7, $0x42D20000, v6;
	v7 =	vsel vm7, $0x42F20000, v7;
	v8 =	vsel vm7, $0x43090000, v8  }
0x3f: {  	v9 =	vsel vm7, $0x43190000, v9;
	v10 =	vsel vm7, $0x43290000, v10;
	v11 =	vsel vm7, $0x43390000, v11  }
0x40: {  	v12 =	vsel vm7, $0x43490000, v12;
	v13 =	vsel vm7, $0x43590000, v13;
	v14 =	vsel vm7, $0x43690000, v14  }
0x41: {  	v15 =	vsel vm7, $0x43790000, v15;
	v0 =	vsel vm6, $0x41200000, v0;
	v1 =	vsel vm6, $0x41D00000, v1  }
0x42: {  	v2 =	vsel vm6, $0x42280000, v2;
	v3 =	vsel vm6, $0x42680000, v3;
	v4 =	vsel vm6, $0x42940000, v4  }
0x43: {  	v5 =	vsel vm6, $0x42B40000, v5;
	v6 =	vsel vm6, $0x42D40000, v6;
	v7 =	vsel vm6, $0x42F40000, v7  }
0x44: {  	v8 =	vsel vm6, $0x430A0000, v8;
	v9 =	vsel vm6, $0x431A0000, v9;
	v10 =	vsel vm6, $0x432A0000, v10  }
0x45: {  	v11 =	vsel vm6, $0x433A0000, v11;
	v12 =	vsel vm6, $0x434A0000, v12;
	v13 =	vsel vm6, $0x435A0000, v13  }
0x46: {  	v14 =	vsel vm6, $0x436A0000, v14;
	v15 =	vsel vm6, $0x437A0000, v15;
	v0 =	vsel vm5, $0x41300000, v0  }
0x47: {  	v1 =	vsel vm5, $0x41D80000, v1;
	v2 =	vsel vm5, $0x422C0000, v2;
	v3 =	vsel vm5, $0x426C0000, v3  }
0x48: {  	v4 =	vsel vm5, $0x42960000, v4;
	v5 =	vsel vm5, $0x42B60000, v5;
	v6 =	vsel vm5, $0x42D60000, v6  }
0x49: {  	v7 =	vsel vm5, $0x42F60000, v7;
	v8 =	vsel vm5, $0x430B0000, v8;
	v9 =	vsel vm5, $0x431B0000, v9  }
0x4a: {  	v10 =	vsel vm5, $0x432B0000, v10;
	v11 =	vsel vm5, $0x433B0000, v11;
	v12 =	vsel vm5, $0x434B0000, v12  }
0x4b: {  	v13 =	vsel vm5, $0x435B0000, v13;
	v14 =	vsel vm5, $0x436B0000, v14;
	v15 =	vsel vm5, $0x437B0000, v15  }
0x4c: {  	v0 =	vsel vm4, $0x41400000, v0;
	v1 =	vsel vm4, $0x41E00000, v1;
	v2 =	vsel vm4, $0x42300000, v2  }
0x4d: {  	v3 =	vsel vm4, $0x42700000, v3;
	v4 =	vsel vm4, $0x42980000, v4;
	v5 =	vsel vm4, $0x42B80000, v5  }
0x4e: {  	v6 =	vsel vm4, $0x42D80000, v6;
	v7 =	vsel vm4, $0x42F80000, v7;
	v8 =	vsel vm4, $0x430C0000, v8  }
0x4f: {  	s0 =	rddreg [dreg:$0x0];
	v9 =	vsel vm4, $0x431C0000, v9;
	v10 =	vsel vm4, $0x432C0000, v10;
	v11 =	vsel vm4, $0x433C0000, v11  }
0x50: {  	s1 =	rddreg [dreg:$0x1];
	v12 =	vsel vm4, $0x434C0000, v12;
	v13 =	vsel vm4, $0x435C0000, v13;
	v14 =	vsel vm4, $0x436C0000, v14  }
0x51: {  	s4 =	rddreg [dreg:$0x2];
	s2 =	srdreg.scid;
	s3 =	simm.s32 $0x0;
	v15 =	vsel vm4, $0x437C0000, v15;
	v0 =	vsel vm3, $0x41500000, v0;
	v1 =	vsel vm3, $0x41E80000, v1  }
0x52: {  	s5 =	stileid.u32;
	s14 =	simm.s32 $0x1;
	s15 =	simm.s32 $0x100;
	v2 =	vsel vm3, $0x42340000, v2;
	v3 =	vsel vm3, $0x42740000, v3;
	v4 =	vsel vm3, $0x429A0000, v4  }
0x53: {  	s16 =	simm.s32 $0x200;
	s18 =	simm.s32 $0x500;
	s21 =	simm.s32 $0x0;
	v5 =	vsel vm3, $0x42BA0000, v5;
	v6 =	vsel vm3, $0x42DA0000, v6;
	v7 =	vsel vm3, $0x42FA0000, v7  }
0x54: {  	s2 =	sand.u32 $0x1, s2;
	[smem:$0x7FF] =	sst s3;
	s1 =	sadd.s32 $0x600, s1;
	v8 =	vsel vm3, $0x430D0000, v8;
	v9 =	vsel vm3, $0x431D0000, v9;
	v10 =	vsel vm3, $0x432D0000, v10  }
0x55: {  	s30 =	sshll.u32 s5, $0x5;
	s31 =	sadd.s32 $0x1, s5;
	p0 =	sne.s32 s5, $0x0;
	v11 =	vsel vm3, $0x433D0000, v11;
	v12 =	vsel vm3, $0x434D0000, v12;
	v13 =	vsel vm3, $0x435D0000, v13  }
0x56: {  	s6 =	ssub.s32 $0x2, s2;
	_ =	strace $0x80000047;
	[dreg:$0x4] =	wrdreg s1;
	v14 =	vsel vm3, $0x436D0000, v14;
	v15 =	vsel vm3, $0x437D0000, v15;
	v0 =	vsel vm2, $0x41600000, v0  }
.Ltmp0:
0x57: {  	s29 =	sshll.u32 s2, $0x9;
	s9 =	sshrl.u32 s31, $0x4;
	v1 =	vsel vm2, $0x41F00000, v1;
	v2 =	vsel vm2, $0x42380000, v2;
	v3 =	vsel vm2, $0x42780000, v3;
	(pc) =	sbr.rel .LBB2_1-.Ltmp0, $4  }
0x58: {  	s1 =	sand.u32 $0x10, s31;
	s7 =	sshrl.u32 s6, $0x1;
	[dreg:$0x5] =	wrdreg s29;
	v4 =	vsel vm2, $0x429C0000, v4;
	v5 =	vsel vm2, $0x42BC0000, v5;
	v6 =	vsel vm2, $0x42DC0000, v6  }
0x59: {  	s17 =	sor.u32 s30, s29;
	s9 =	sadd.s32 $0xFFFFFFFF, s9;
	s10 =	sor.u32 $0x100, s1;
	v7 =	vsel vm2, $0x42FC0000, v7;
	v8 =	vsel vm2, $0x430E0000, v8;
	v9 =	vsel vm2, $0x431E0000, v9  }
0x5a: {  	s11 =	sor.u32 $0x200, s1;
	s12 =	sor.u32 $0x300, s1;
	s7 =	ssub.s32 s6, s7;
	v10 =	vsel vm2, $0x432E0000, v10;
	v11 =	vsel vm2, $0x433E0000, v11;
	v12 =	vsel vm2, $0x434E0000, v12  }
0x5b: {  	s13 =	sor.u32 $0x400, s1;
	s17 =	sadd.s32 s4, s17;
	s8 =	smax.u32 s7, $0x1;
	v13 =	vsel vm2, $0x435E0000, v13;
	v14 =	vsel vm2, $0x436E0000, v14;
	v15 =	vsel vm2, $0x437E0000, v15  }
.LBB2_13:
0x5c: {  	[tilespmem:$0x500] =	vst v18  }
0x5d: {  	[tilespmem:$0x580] =	vst v17  }
0x5e: {  	[hbm4b:s17+s3] =	stream.linear.scatter [tilespmem:s18], [sflag:$0x1], $0x100, $0x38;
	[tilespmem:$0x1680] =	vst v63  }
.Ltmp1:
0x5f: {  	_ =	swait.ge [sflag:s14], $0x100;
	(pc) =	sbr.rel @!p0 .LBB2_14-.Ltmp1, $3  }
0x60: {  	[sflag:s14] =	ssyncset.done $0x0  }
0x61: {  	[sflag:s14] =	ssyncadd.s32 $0xFFFFFF00  }
0x62: {  	[bflag:$0x0] =	sbarrier.arrive $0xFFFF;
	_ =	sdelay $0x1  }
.LBB2_15:
0x63: {  	s21 =	sadd.s32 $0x1, s21  }
0x64: {  	p1 =	sne.s32 s21, s8  }
.Ltmp2:
0x65: {  	_ = 	snop;
	(pc) =	sbr.rel @!p1 .LBB2_16-.Ltmp2, $1  }
0x66: {  	_ =	sdelay $0x3  }
.LBB2_1:
0x67: {  	[tilespmem:s3], [sflag:$0x1] =	stream.linear.gather [hbm4b:s0+s3], $0x100, $0x38;
	[tilespmem:$0x1680] =	vst v63  }
0x68: {  	_ =	swait.ge [sflag:s14], $0x100  }
0x69: {  	[sflag:s14] =	ssyncset.done $0x0  }
0x6a: {  	[sflag:s14] =	ssyncadd.s32 $0xFFFFFF00  }
0x6b: {  	v17 =	vld [tilespmem:$0x0];
	_ =	sdelay $0x1  }
0x6c: {  	v18 =	vld [tilespmem:$0x10];
	_ =	sdelay $0x1  }
0x6d: {  	v19 =	vld [tilespmem:$0x20]  }
0x6e: {  	v20 =	vmul.f32 v0, v17  }
0x6f: {  	(xrf2) =	vadd.scan.msk.f32 $0xffff, v17;
	v17 =	vld [tilespmem:$0x30]  }
0x70: {  	(xrf2) =	vadd.scan.msk.f32 $0xffff, v20;
	v20 =	vmul.f32 v1, v18  }
0x71: {  	(xrf2) =	vadd.scan.msk.f32 $0xffff, v18;
	v18 =	vld [tilespmem:$0x40]  }
0x72: {  	(xrf2) =	vadd.scan.msk.f32 $0xffff, v20;
	v20 =	vmul.f32 v2, v19  }
0x73: {  	(xrf2) =	vadd.scan.msk.f32 $0xffff, v19;
	v19 =	vld [tilespmem:$0x50]  }
0x74: {  	(xrf2) =	vadd.scan.msk.f32 $0xffff, v20;
	v20 =	vmul.f32 v3, v17  }
0x75: {  	(xrf2) =	vadd.scan.msk.f32 $0xffff, v17;
	v17 =	vld [tilespmem:$0x60]  }
0x76: {  	(xrf2) =	vadd.scan.msk.f32 $0xffff, v20;
	v20 =	vmul.f32 v4, v18  }
0x77: {  	(xrf2) =	vadd.scan.msk.f32 $0xffff, v18;
	v18 =	vld [tilespmem:$0x70]  }
0x78: {  	(xrf2) =	vadd.scan.msk.f32 $0xffff, v20;
	v20 =	vmul.f32 v5, v19  }
0x79: {  	v21, _, _ =	vpop (xrf2);
	(xrf2) =	vadd.scan.msk.f32 $0xffff, v19;
	v19 =	vld [tilespmem:$0x80]  }
0x7a: {  	v22, _, _ =	vpop (xrf2);
	(xrf2) =	vadd.scan.msk.f32 $0xffff, v20;
	v20 =	vmul.f32 v6, v17  }
0x7b: {  	(v2sf) =	vpush v21, $0xF;
	v23, _, _ =	vpop (xrf2);
	(xrf2) =	vadd.scan.msk.f32 $0xffff, v17;
	v17 =	vld [tilespmem:$0x90]  }
0x7c: {  	(v2sf) =	vpush v22, $0xF;
	v24, _, _ =	vpop (xrf2);
	(xrf2) =	vadd.scan.msk.f32 $0xffff, v20;
	v20 =	vmul.f32 v7, v18  }
0x7d: {  	(v2sf) =	vpush v23, $0xF;
	v25, _, _ =	vpop (xrf2);
	(xrf2) =	vadd.scan.msk.f32 $0xffff, v18;
	v18 =	vld [tilespmem:$0xA0]  }
0x7e: {  	(v2sf) =	vpush v24, $0xF;
	v26, _, _ =	vpop (xrf2);
	(xrf2) =	vadd.scan.msk.f32 $0xffff, v20;
	v20 =	vmul.f32 v8, v19  }
0x7f: {  	(v2sf) =	vpush v25, $0xF;
	v27, _, _ =	vpop (xrf2);
	(xrf2) =	vadd.scan.msk.f32 $0xffff, v19;
	v19 =	vld [tilespmem:$0xB0]  }
0x80: {  	(v2sf) =	vpush v26, $0xF;
	v28, _, _ =	vpop (xrf2);
	(xrf2) =	vadd.scan.msk.f32 $0xffff, v20;
	v20 =	vmul.f32 v9, v17  }
0x81: {  	(v2sf) =	vpush v27, $0xF;
	v29, _, _ =	vpop (xrf2);
	(xrf2) =	vadd.scan.msk.f32 $0xffff, v17;
	v17 =	vld [tilespmem:$0xC0]  }
0x82: {  	(v2sf) =	vpush v28, $0xF;
	v30, _, _ =	vpop (xrf2);
	(xrf2) =	vadd.scan.msk.f32 $0xffff, v20;
	v20 =	vmul.f32 v10, v18  }
0x83: {  	(v2sf) =	vpush v29, $0xF;
	v31, _, _ =	vpop (xrf2);
	(xrf2) =	vadd.scan.msk.f32 $0xffff, v18;
	v18 =	vld [tilespmem:$0xD0]  }
0x84: {  	(v2sf) =	vpush v30, $0xF;
	v32, _, _ =	vpop (xrf2);
	(xrf2) =	vadd.scan.msk.f32 $0xffff, v20;
	v20 =	vmul.f32 v11, v19  }
0x85: {  	(v2sf) =	vpush v31, $0xF;
	v33, _, _ =	vpop (xrf2);
	(xrf2) =	vadd.scan.msk.f32 $0xffff, v19;
	v19 =	vld [tilespmem:$0xE0]  }
0x86: {  	(v2sf) =	vpush v32, $0xF;
	v34, _, _ =	vpop (xrf2);
	(xrf2) =	vadd.scan.msk.f32 $0xffff, v20;
	v20 =	vmul.f32 v12, v17  }
0x87: {  	(v2sf) =	vpush v33, $0xF;
	v35, _, _ =	vpop (xrf2);
	(xrf2) =	vadd.scan.msk.f32 $0xffff, v17  }
0x88: {  	(v2sf) =	vpush v34, $0xF;
	v17, _, _ =	vpop (xrf2);
	(xrf2) =	vadd.scan.msk.f32 $0xffff, v20;
	v20 =	vmul.f32 v13, v18  }
0x89: {  	v36 =	vld [tilespmem:$0xF0];
	(v2sf) =	vpush v35, $0xF;
	v37, _, _ =	vpop (xrf2);
	(xrf2) =	vadd.scan.msk.f32 $0xffff, v18  }
0x8a: {  	s2 =	spop (v2sf);
	(v2sf) =	vpush v17, $0xF;
	v18, _, _ =	vpop (xrf2);
	(xrf2) =	vadd.scan.msk.f32 $0xffff, v20;
	v20 =	vmul.f32 v14, v19  }
0x8b: {  	s2 =	sadd.f32 $0.0e+00, s2;
	s7 =	spop (v2sf);
	(v2sf) =	vpush v37, $0xF  }
0x8c: {  	s19 =	spop (v2sf);
	(v2sf) =	vpush v18, $0xF;
	v38, _, _ =	vpop (xrf2);
	(xrf2) =	vadd.scan.msk.f32 $0xffff, v19  }
0x8d: {  	s19 =	sadd.f32 s19, s2;
	s20 =	spop (v2sf);
	v19, _, _ =	vpop (xrf2);
	(v2sf) =	vpush v38, $0xF;
	(xrf2) =	vadd.scan.msk.f32 $0xffff, v20  }
0x8e: {  	s22 =	spop (v2sf);
	(v2sf) =	vpush v19, $0xF;
	v20, _, _ =	vpop (xrf2);
	(xrf2) =	vadd.scan.msk.f32 $0xffff, v36  }
0x8f: {  	s22 =	sadd.f32 s22, s19;
	s23 =	spop (v2sf);
	v39, _, _ =	vpop (xrf2);
	(v2sf) =	vpush v20, $0xF  }
0x90: {  	s24 =	spop (v2sf);
	v40, _, _ =	vpop (xrf2);
	(v2sf) =	vpush v39, $0xF  }
0x91: {  	s24 =	sadd.f32 s24, s22;
	s25 =	spop (v2sf);
	v41, _, _ =	vpop (xrf2);
	(v2sf) =	vpush v40, $0xF  }
0x92: {  	s26 =	spop (v2sf);
	v42, _, _ =	vpop (xrf2);
	(v2sf) =	vpush v41, $0xF  }
0x93: {  	s26 =	sadd.f32 s26, s24;
	s28 =	spop (v2sf);
	v43, _, _ =	vpop (xrf2);
	(v2sf) =	vpush v42, $0xF  }
0x94: {  	s7 =	sadd.f32 $0.0e+00, s7;
	s29 =	spop (v2sf);
	v44, _, _ =	vpop (xrf2);
	(v2sf) =	vpush v43, $0xF  }
0x95: {  	s29 =	sadd.f32 s29, s26;
	s30 =	spop (v2sf);
	v45, _, _ =	vpop (xrf2);
	(v2sf) =	vpush v44, $0xF  }
0x96: {  	v21 =	vadd.f32 $0.0e+00, v21;
	s20 =	sadd.f32 s20, s7;
	s31 =	spop (v2sf);
	v46, _, _ =	vpop (xrf2);
	(v2sf) =	vpush v45, $0xF  }
0x97: {  	v22 =	vadd.f32 $0.0e+00, v22;
	v36 =	vmul.f32 v15, v36;
	s31 =	sadd.f32 s31, s29;
	s4 =	spop (v2sf);
	v47, _, _ =	vpop (xrf2);
	(v2sf) =	vpush v46, $0xF  }
0x98: {  	v23 =	vadd.f32 s2, v23;
	s2 =	sadd.f32 s23, s20;
	s6 =	spop (v2sf);
	v62, _, _ =	vpop (xrf2);
	(v2sf) =	vpush v47, $0xF  }
0x99: {  	v63 =	vadd.f32 s7, v24;
	(xrf2) =	vadd.scan.msk.f32 $0xffff, v36;
	s7 =	sadd.f32 s6, s31;
	s23 =	spop (v2sf);
	(v2sf) =	vpush v62, $0xF  }
0x9a: {  	[tilespmem:$0x100] =	vst v21;
	s25 =	sadd.f32 s25, s2;
	s6 =	spop (v2sf)  }
0x9b: {  	[tilespmem:$0x200] =	vst v22;
	v24 =	vadd.f32 s19, v25;
	v25 =	vadd.f32 s20, v26;
	s20 =	spop (v2sf);
	s19 =	sadd.f32 s6, s7  }
0x9c: {  	[tilespmem:$0x110] =	vst v23;
	s28 =	sadd.f32 s28, s25;
	s6 =	spop (v2sf)  }
0x9d: {  	[tilespmem:$0x210] =	vst v63;
	v26 =	vadd.f32 s22, v27;
	v27 =	vadd.f32 s2, v28;
	s2 =	spop (v2sf);
	s6 =	sadd.f32 s6, s19  }
0x9e: {  	[tilespmem:$0x120] =	vst v24;
	v28 =	vadd.f32 s24, v29;
	s24 =	sadd.f32 s30, s28;
	s22 =	spop (v2sf)  }
0x9f: {  	[tilespmem:$0x220] =	vst v25;
	v29 =	vadd.f32 s25, v30;
	s25 =	spop (v2sf);
	s30 =	sadd.f32 s22, s6  }
0xa0: {  	[tilespmem:$0x130] =	vst v26;
	s22 =	spop (v2sf)  }
0xa1: {  	[tilespmem:$0x230] =	vst v27;
	v30 =	vadd.f32 s26, v31;
	v31 =	vadd.f32 s28, v32;
	s26 =	spop (v2sf);
	s28 =	sadd.f32 s22, s30  }
0xa2: {  	[tilespmem:$0x140] =	vst v28;
	v32 =	vadd.f32 s29, v33;
	s4 =	sadd.f32 s4, s24;
	s22 =	spop (v2sf)  }
0xa3: {  	[tilespmem:$0x240] =	vst v29;
	v34 =	vadd.f32 s24, v34;
	v35 =	vadd.f32 s31, v35;
	v33, _, _ =	vpop (xrf2);
	s24 =	sadd.f32 s22, s28;
	s29 =	spop (v2sf)  }
0xa4: {  	[tilespmem:$0x150] =	vst v30;
	s23 =	sadd.f32 s23, s4;
	v17 =	vadd.f32 s4, v17;
	(v2sf) =	vpush v33, $0xF;
	s31 =	spop (v2sf)  }
0xa5: {  	[tilespmem:$0x250] =	vst v31;
	s4 =	spop (v2sf);
	s31 =	sadd.f32 s31, s24  }
0xa6: {  	v36 =	vadd.f32 s7, v37;
	v37 =	vld [tilespmem:$0x100];
	s20 =	sadd.f32 s20, s23;
	[tilespmem:$0x270] =	vst v17;
	v17 =	vadd.f32 s23, v18;
	s22 =	spop (v2sf)  }
0xa7: {  	[tilespmem:$0x160] =	vst v32;
	v18 =	vadd.f32 s19, v38;
	v38 =	vld [tilespmem:$0x110];
	s23 =	spop (v2sf);
	s7 =	sadd.f32 s22, s31  }
0xa8: {  	s2 =	sadd.f32 s2, s20;
	v19 =	vadd.f32 s20, v19;
	[tilespmem:$0x280] =	vst v17;
	s22 =	spop (v2sf)  }
0xa9: {  	v17 =	vadd.f32 s6, v20;
	[tilespmem:$0x190] =	vst v18;
	v18 =	vld [tilespmem:$0x120];
	s19 =	sadd.f32 s22, s7  }
0xaa: {  	v20 =	vadd.f32 s2, v39;
	[tilespmem:$0x290] =	vst v19;
	s25 =	sadd.f32 s25, s2  }
0xab: {  	[tilespmem:$0x1A0] =	vst v17;
	v17 =	vld [tilespmem:$0x130];
	v19 =	vsub.f32 s19, v37  }
0xac: {  	[tilespmem:$0x2A0] =	vst v20;
	s20 =	sadd.f32 s26, s25;
	v20 =	vsub.f32 s19, v38  }
0xad: {  	[tilespmem:$0x260] =	vst v34;
	(erf) = vrcp.f32 v19  }
0xae: {  	[tilespmem:$0x170] =	vst v35;
	v40 =	vadd.f32 s30, v40;
	s26 =	sadd.f32 s29, s20;
	v18 =	vsub.f32 s19, v18;
	(erf) = vrcp.f32 v20  }
0xaf: {  	v50 =	vld [tilespmem:$0x140];
	[tilespmem:$0x180] =	vst v36;
	v48 =	vadd.f32 s25, v41  }
0xb0: {  	v52 =	vld [tilespmem:$0x150];
	v49 =	vadd.f32 s28, v42;
	[tilespmem:$0x1B0] =	vst v40;
	s30 =	sadd.f32 s4, s26;
	v17 =	vsub.f32 s19, v17;
	(erf) = vrcp.f32 v18  }
0xb1: {  	v56 =	vld [tilespmem:$0x210];
	v51 =	vadd.f32 s20, v43;
	[tilespmem:$0x2B0] =	vst v48  }
0xb2: {  	v61 =	vld [tilespmem:$0x220];
	[tilespmem:$0x1C0] =	vst v49;
	v53 =	vadd.f32 s24, v44;
	s4 =	sadd.f32 s23, s30;
	(erf) = vrcp.f32 v17  }
0xb3: {  	v58 =	vld [tilespmem:$0x160];
	[tilespmem:$0x2C0] =	vst v51;
	v55 =	vadd.f32 s26, v45;
	v57 =	vadd.f32 s31, v46;
	s31 =	spop (v2sf)  }
0xb4: {  	v60 =	vld [tilespmem:$0x170];
	[tilespmem:$0x1D0] =	vst v53;
	v24 =	vsub.f32 s19, v50;
	s23 =	sadd.f32 s31, s4  }
0xb5: {  	v63 =	vld [tilespmem:$0x230];
	[tilespmem:$0x2D0] =	vst v55;
	v59 =	vadd.f32 s30, v47;
	v25 =	vsub.f32 s19, v52  }
0xb6: {  	[tilespmem:$0x1E0] =	vst v57;
	v23 =	vadd.f32 s4, v33;
	(erf) = vrcp.f32 v24;
	v35 =	vsub.f32 s23, v56;
	v33 =	vpop (erf)  }
0xb7: {  	v34 =	vld [tilespmem:$0x180];
	[tilespmem:$0x300] =	vst v19;
	(erf) = vrcp.f32 v25;
	v19 =	vpop (erf)  }
0xb8: {  	v40 =	vld [tilespmem:$0x250];
	[tilespmem:$0x2E0] =	vst v59;
	v36 =	vsub.f32 s19, v58;
	v39 =	vsub.f32 s23, v61;
	v19 =	vmul.f32 v19, v35  }
0xb9: {  	v21 =	vadd.f32 s7, v62;
	v38 =	vld [tilespmem:$0x240];
	v30 =	vsub.f32 s19, v60;
	[tilespmem:$0x310] =	vst v20;
	v20 =	vpop (erf)  }
0xba: {  	v37 =	vld [tilespmem:$0x190];
	(erf) = vrcp.f32 v36;
	[tilespmem:$0x410] =	vst v19;
	v19 =	vmul.f32 v20, v39;
	v20 =	vsub.f32 s23, v63  }
0xbb: {  	v54 =	vld [tilespmem:$0x200];
	[tilespmem:$0x320] =	vst v18;
	v18 =	vpop (erf)  }
0xbc: {  	v41 =	vld [tilespmem:$0x1A0];
	[tilespmem:$0x1F0] =	vst v21;
	v43 =	vsub.f32 s19, v34;
	(erf) = vrcp.f32 v30;
	v18 =	vmul.f32 v18, v20  }
0xbd: {  	v42 =	vld [tilespmem:$0x260];
	[tilespmem:$0x2F0] =	vst v23  }
0xbe: {  	v44 =	vld [tilespmem:$0x1B0];
	(erf) = vrcp.f32 v43;
	[tilespmem:$0x420] =	vst v19;
	v19 =	vsub.f32 s23, v38  }
0xbf: {  	[tilespmem:$0x330] =	vst v17;
	v28 =	vsub.f32 s19, v37;
	v22 =	vsub.f32 s23, v40;
	v17 =	vpop (erf);
	v20 =	vld [tilespmem:$0x270]  }
0xc0: {  	v45 =	vld [tilespmem:$0x1C0];
	[tilespmem:$0x430] =	vst v18;
	v17 =	vmul.f32 v17, v19;
	v18 =	vpop (erf)  }
0xc1: {  	v23 =	vsub.f32 s19, v41;
	[tilespmem:$0x340] =	vst v24;
	(erf) = vrcp.f32 v28;
	v19 =	vld [tilespmem:$0x280];
	v18 =	vmul.f32 v18, v22  }
0xc2: {  	v46 =	vld [tilespmem:$0x1D0];
	[tilespmem:$0x440] =	vst v17;
	v17 =	vsub.f32 s23, v42  }
0xc3: {  	v47 =	vld [tilespmem:$0x290];
	v48 =	vsub.f32 s19, v44;
	[tilespmem:$0x350] =	vst v25;
	(erf) = vrcp.f32 v23;
	v49 =	vpop (erf)  }
0xc4: {  	v50 =	vld [tilespmem:$0x1E0];
	[tilespmem:$0x360] =	vst v36;
	v62 =	vsub.f32 s23, v54;
	v20 =	vsub.f32 s23, v20;
	v17 =	vmul.f32 v49, v17  }
0xc5: {  	v51 =	vld [tilespmem:$0x2A0];
	v29 =	vsub.f32 s19, v45;
	(erf) = vrcp.f32 v48;
	[tilespmem:$0x450] =	vst v18;
	v18 =	vpop (erf)  }
0xc6: {  	v21 =	vmul.f32 v33, v62;
	[tilespmem:$0x460] =	vst v17;
	v17 =	vsub.f32 s23, v19;
	v18 =	vmul.f32 v18, v20;
	v20 =	vld [tilespmem:$0x1F0]  }
0xc7: {  	[tilespmem:$0x370] =	vst v30;
	v19 =	vsub.f32 s19, v46;
	(erf) = vrcp.f32 v29;
	v52 =	vpop (erf)  }
0xc8: {  	v53 =	vld [tilespmem:$0x2B0];
	[tilespmem:$0x400] =	vst v21;
	v17 =	vmul.f32 v52, v17  }
0xc9: {  	v54 =	vsub.f32 s19, v50;
	v21 =	vsub.f32 s23, v47;
	(erf) = vrcp.f32 v19;
	[tilespmem:$0x470] =	vst v18  }
0xca: {  	v55 =	vld [tilespmem:$0x2C0];
	[tilespmem:$0x480] =	vst v17;
	v17 =	vsub.f32 s23, v51;
	v18 =	vpop (erf)  }
0xcb: {  	[tilespmem:$0x380] =	vst v43;
	(erf) = vrcp.f32 v54;
	v18 =	vmul.f32 v18, v21;
	v20 =	vsub.f32 s19, v20  }
0xcc: {  	v57 =	vld [tilespmem:$0x2D0];
	[tilespmem:$0x3B0] =	vst v48;
	v56 =	vpop (erf)  }
0xcd: {  	v17 =	vmul.f32 v56, v17;
	[tilespmem:$0x490] =	vst v18;
	v18 =	vsub.f32 s23, v53;
	(erf) = vrcp.f32 v20  }
0xce: {  	v59 =	vld [tilespmem:$0x2E0];
	[tilespmem:$0x3C0] =	vst v29;
	v58 =	vpop (erf)  }
0xcf: {  	[tilespmem:$0x4A0] =	vst v17;
	v17 =	vmul.f32 v58, v18;
	v18 =	vsub.f32 s23, v55  }
0xd0: {  	[tilespmem:$0x3A0] =	vst v23;
	v61 =	vld [tilespmem:$0x2F0];
	v60 =	vpop (erf)  }
0xd1: {  	[tilespmem:$0x4B0] =	vst v17;
	v17 =	vmul.f32 v60, v18;
	v18 =	vsub.f32 s23, v57  }
0xd2: {  	[tilespmem:$0x390] =	vst v28;
	v62 =	vpop (erf)  }
0xd3: {  	[tilespmem:$0x4C0] =	vst v17;
	v17 =	vmul.f32 v62, v18;
	v18 =	vsub.f32 s23, v59  }
0xd4: {  	[tilespmem:$0x3E0] =	vst v54;
	v63 =	vpop (erf)  }
.Ltmp3:
0xd5: {  	[tilespmem:$0x4D0] =	vst v17;
	v17 =	vmul.f32 v63, v18;
	v18 =	vsub.f32 s23, v61;
	(pc) =	sbr.rel .LBB2_2-.Ltmp3, $4  }
0xd6: {  	[tilespmem:$0x3D0] =	vst v19;
	v19 =	vpop (erf)  }
0xd7: {  	s25 =	smov.u32 s11;
	[tilespmem:$0x4E0] =	vst v17;
	v17 =	vmul.f32 v19, v18  }
0xd8: {  	s28 =	smov.u32 s9;
	s29 =	simm.s32 $0x0;
	s24 =	smov.u32 s12;
	[tilespmem:$0x3F0] =	vst v20  }
0xd9: {  	s26 =	smov.u32 s10;
	s7 =	smov.u32 s1;
	s23 =	smov.u32 s13;
	v18 =	vimm.f32 $-5.000000000e-01;
	[tilespmem:$0x4F0] =	vst v17;
	v17 =	vimm.s32 $0x40000000  }
.LBB2_14:
0xda: {  	s2 =	rddreg [dreg:$0x2]  }
0xdb: {  	s4 =	rddreg [dreg:$0x5]  }
0xdc: {  	s24 =	simm.s32 $0x600;
	s2 =	sadd.s32 s4, s2  }
0xdd: {  	[tilespmem:s24], [sflag:$0x1] =	stream.linear.gather [hbm4b:s2+s3], $0x1000, $0x38;
	[tilespmem:$0x1680] =	vst v63  }
0xde: {  	_ =	swait.ge [sflag:s14], $0x1000  }
0xdf: {  	[sflag:s14] =	ssyncset.done $0x0  }
0xe0: {  	[sflag:s14] =	ssyncadd.s32 $0xFFFFF000  }
0xe1: {  	v17 =	vld [tilespmem:$0x600]  }
0xe2: {  	v18 =	vld [tilespmem:$0x680]  }
0xe3: {  	v19 =	vld [tilespmem:$0x700]  }
0xe4: {  	v20 =	vld [tilespmem:$0x780];
	_ =	sdelay $0x2  }
0xe5: {  	v21 =	vld [tilespmem:$0x800]  }
0xe6: {  	v22 =	vld [tilespmem:$0x880]  }
0xe7: {  	vm2 =	veq.f32 v19, v17;
	vm3 =	vlt.s32 v20, v18  }
0xe8: {  	vm2 =	vmand vm2, vm3;
	vm3 =	vgt.f32 v19, v17  }
0xe9: {  	v23 =	vld [tilespmem:$0x900];
	vm2 =	vmor vm3, vm2  }
0xea: {  	v17 =	vsel vm2, v19, v17;
	v18 =	vsel vm2, v20, v18;
	v19 =	vld [tilespmem:$0x980]  }
0xeb: {  	vm2 =	veq.f32 v21, v17;
	vm3 =	vlt.s32 v22, v18  }
0xec: {  	vm2 =	vmand vm2, vm3;
	vm3 =	vgt.f32 v21, v17  }
0xed: {  	v45 =	vld [tilespmem:$0xA00];
	vm2 =	vmor vm3, vm2  }
0xee: {  	v46 =	vld [tilespmem:$0xA80];
	v17 =	vsel vm2, v21, v17;
	v18 =	vsel vm2, v22, v18  }
0xef: {  	vm2 =	veq.f32 v23, v17;
	vm3 =	vlt.s32 v19, v18  }
0xf0: {  	vm2 =	vmand vm2, vm3;
	vm3 =	vgt.f32 v23, v17  }
0xf1: {  	v47 =	vld [tilespmem:$0xB00];
	vm2 =	vmor vm3, vm2  }
0xf2: {  	v17 =	vsel vm2, v23, v17;
	v18 =	vsel vm2, v19, v18;
	v19 =	vld [tilespmem:$0xB80]  }
0xf3: {  	vm2 =	veq.f32 v45, v17;
	vm3 =	vlt.s32 v46, v18  }
0xf4: {  	vm2 =	vmand vm2, vm3;
	vm3 =	vgt.f32 v45, v17  }
0xf5: {  	v48 =	vld [tilespmem:$0xC00];
	vm2 =	vmor vm3, vm2  }
0xf6: {  	v49 =	vld [tilespmem:$0xC80];
	v17 =	vsel vm2, v45, v17;
	v18 =	vsel vm2, v46, v18  }
0xf7: {  	vm2 =	veq.f32 v47, v17;
	vm3 =	vlt.s32 v19, v18  }
0xf8: {  	vm2 =	vmand vm2, vm3;
	vm3 =	vgt.f32 v47, v17  }
0xf9: {  	v50 =	vld [tilespmem:$0xD00];
	vm2 =	vmor vm3, vm2  }
0xfa: {  	v17 =	vsel vm2, v47, v17;
	v18 =	vsel vm2, v19, v18;
	v19 =	vld [tilespmem:$0xD80]  }
0xfb: {  	vm2 =	veq.f32 v48, v17;
	vm3 =	vlt.s32 v49, v18  }
0xfc: {  	vm2 =	vmand vm2, vm3;
	vm3 =	vgt.f32 v48, v17  }
0xfd: {  	v51 =	vld [tilespmem:$0xE00];
	vm2 =	vmor vm3, vm2  }
0xfe: {  	v52 =	vld [tilespmem:$0xE80];
	v17 =	vsel vm2, v48, v17;
	v18 =	vsel vm2, v49, v18  }
0xff: {  	vm2 =	veq.f32 v50, v17;
	vm3 =	vlt.s32 v19, v18  }
0x100: {  	vm2 =	vmand vm2, vm3;
	vm3 =	vgt.f32 v50, v17  }
0x101: {  	v53 =	vld [tilespmem:$0xF00];
	vm2 =	vmor vm3, vm2  }
0x102: {  	v17 =	vsel vm2, v50, v17;
	v18 =	vsel vm2, v19, v18;
	v19 =	vld [tilespmem:$0xF80]  }
0x103: {  	vm2 =	veq.f32 v51, v17;
	vm3 =	vlt.s32 v52, v18  }
0x104: {  	vm2 =	vmand vm2, vm3;
	vm3 =	vgt.f32 v51, v17  }
0x105: {  	v54 =	vld [tilespmem:$0x1000];
	vm2 =	vmor vm3, vm2  }
0x106: {  	v55 =	vld [tilespmem:$0x1080];
	v17 =	vsel vm2, v51, v17;
	v18 =	vsel vm2, v52, v18  }
0x107: {  	vm2 =	veq.f32 v53, v17;
	vm3 =	vlt.s32 v19, v18  }
0x108: {  	vm2 =	vmand vm2, vm3;
	vm3 =	vgt.f32 v53, v17  }
0x109: {  	v56 =	vld [tilespmem:$0x1100];
	vm2 =	vmor vm3, vm2  }
0x10a: {  	v17 =	vsel vm2, v53, v17;
	v18 =	vsel vm2, v19, v18;
	v19 =	vld [tilespmem:$0x1180]  }
0x10b: {  	vm2 =	veq.f32 v54, v17;
	vm3 =	vlt.s32 v55, v18  }
0x10c: {  	vm2 =	vmand vm2, vm3;
	vm3 =	vgt.f32 v54, v17  }
0x10d: {  	v57 =	vld [tilespmem:$0x1200];
	vm2 =	vmor vm3, vm2  }
0x10e: {  	v58 =	vld [tilespmem:$0x1280];
	v17 =	vsel vm2, v54, v17;
	v18 =	vsel vm2, v55, v18  }
0x10f: {  	vm2 =	veq.f32 v56, v17;
	vm3 =	vlt.s32 v19, v18  }
0x110: {  	vm2 =	vmand vm2, vm3;
	vm3 =	vgt.f32 v56, v17  }
0x111: {  	v59 =	vld [tilespmem:$0x1300];
	vm2 =	vmor vm3, vm2  }
0x112: {  	v17 =	vsel vm2, v56, v17;
	v18 =	vsel vm2, v19, v18;
	v19 =	vld [tilespmem:$0x1380]  }
0x113: {  	vm2 =	veq.f32 v57, v17;
	vm3 =	vlt.s32 v58, v18  }
0x114: {  	vm2 =	vmand vm2, vm3;
	vm3 =	vgt.f32 v57, v17  }
0x115: {  	v60 =	vld [tilespmem:$0x1400];
	vm2 =	vmor vm3, vm2  }
0x116: {  	v61 =	vld [tilespmem:$0x1480];
	v17 =	vsel vm2, v57, v17;
	v18 =	vsel vm2, v58, v18  }
0x117: {  	vm2 =	veq.f32 v59, v17;
	vm3 =	vlt.s32 v19, v18  }
0x118: {  	vm2 =	vmand vm2, vm3;
	vm3 =	vgt.f32 v59, v17  }
0x119: {  	v62 =	vld [tilespmem:$0x1500];
	vm2 =	vmor vm3, vm2  }
0x11a: {  	v17 =	vsel vm2, v59, v17;
	v18 =	vsel vm2, v19, v18;
	v19 =	vld [tilespmem:$0x1580]  }
0x11b: {  	vm2 =	veq.f32 v60, v17;
	vm3 =	vlt.s32 v61, v18  }
0x11c: {  	vm2 =	vmand vm2, vm3;
	vm3 =	vgt.f32 v60, v17  }
0x11d: {  	vm2 =	vmor vm3, vm2  }
0x11e: {  	v17 =	vsel vm2, v60, v17;
	v18 =	vsel vm2, v61, v18  }
0x11f: {  	vm2 =	veq.f32 v62, v17;
	vm3 =	vlt.s32 v19, v18  }
0x120: {  	vm4 =	vgt.f32 v62, v17;
	vm2 =	vmand vm2, vm3  }
0x121: {  	vm2 =	vmor vm4, vm2  }
0x122: {  	v17 =	vsel vm2, v62, v17  }
0x123: {  	(xrf0) =	vmax.scan.msk.f32 $0xffff, v17;
	_ =	sdelay $0x5  }
0x124: {  	v63, _, _ =	vpop (xrf0)  }
0x125: {  	v20 =	vbroadcast v63, $0xF  }
0x126: {  	v18 =	vsel vm2, v19, v18  }
0x127: {  	vm2 =	veq.f32 v17, v20;
	v17 =	vxor.u32 $0x80000000, v18  }
0x128: {  	v17 =	vnsel vm2, $0xC0000000, v17  }
0x129: {  	(xrf0) =	vmin.scan.msk.u32 $0xffff, v17;
	_ =	sdelay $0x5  }
0x12a: {  	v17, _, _ =	vpop (xrf0)  }
0x12b: {  	(v2sf) =	vpush v17, $0xF;
	_ =	sdelay $0xe  }
0x12c: {  	s25 =	spop (v2sf)  }
0x12d: {  	s26 =	sxor.u32 $0x80000000, s25  }
0x12e: {  	p2 =	sgt.s32 s25, $0xFFFFFFFF;
	s2 =	sand.u32 $0xFF, s25;
	p1 =	slt.s32 s26, $0x1  }
0x12f: {  	s6 =	sshra.s32 s26, $0x1F;
	p6 =	sne.s32 s2, $0x0;
	p1 =	por p2, p1  }
0x130: {  	s28 =	sshrl.u32 s6, $0x18;
	p1 =	por !p6, !p1  }
0x131: {  	s6 =	simm.s32 $0x1;
	s2 =	sadd.s32 s28, s26;
	p1 =	por !p1, !p1  }
0x132: {  	s2 =	sshra.s32 s2, $0x8;
	s6 =	simm.s32 @!p1 $0x0  }
0x133: {  	s2 =	ssub.s32 s2, s6  }
0x134: {  	s6 =	sshll.u32 s2, $0x8;
	v17 =	vmov s2  }
0x135: {  	s29 =	ssub.s32 s26, s6;
	v17 =	vnsel vm0, $0x0, v17  }
0x136: {  	v17 =	vsel vm1, s29, v17  }
.Ltmp4:
0x137: {  	s31 =	simm.s32 $0x1600;
	s30 =	rddreg [dreg:$0x4];
	[tilespmem:$0x1600] =	vst v17;
	(pc) =	sbr.rel .LBB2_15-.Ltmp4, $4  }
0x138: {  	[hbm4b:s30+s3] =	stream.linear.scatter [tilespmem:s31], [sflag:$0x1], $0x80, $0x38;
	[tilespmem:$0x1680] =	vst v63  }
0x139: {  	_ =	swait.ge [sflag:s14], $0x80  }
0x13a: {  	[sflag:s14] =	ssyncset.done $0x0  }
0x13b: {  	[sflag:s14] =	ssyncadd.s32 $0xFFFFFF80  }
.LBB2_4:
0x13c: {  	s30 =	smov.u32 s24;
	s22 =	smov.u32 s7;
	s31 =	smov.u32 s23;
	v24 =	vmov v29;
	v28 =	vmov v18;
	v25 =	vmov v17  }
.LBB2_11:
0x13d: {  	s2 =	sadd.s32 @p1 $0x10, s31;
	s4 =	smov.u32 s23  }
0x13e: {  	s6 =	sadd.s32 @p2 $0x10, s22;
	s4 =	smov.u32 @p1 s2;
	s2 =	smov.u32 s7  }
0x13f: {  	v30 =	vmul.f32 @p1 v36, v30;
	v31 =	vmul.f32 @p1 v32, v29;
	s19 =	sadd.s32 @p1 $0x10, s30;
	s2 =	smov.u32 @p2 s6;
	s6 =	smov.u32 s24  }
0x140: {  	v33 =	vmul.f32 @p1 v37, v33;
	v34 =	vmul.f32 @p1 v35, v35;
	vm2 =	veq.f32 @p1 v21, $0.0e+00;
	v55 =	vld [tilespmem:s4+$0x0];
	s6 =	smov.u32 @p1 s19  }
0x141: {  	vm4 =	veq.f32 @p1 v29, $0.0e+00;
	vm5 =	veq.f32 @p1 v32, $0.0e+00;
	v23 =	vsub.f32 v27, v23;
	v56 =	vld [tilespmem:s6+$0x0]  }
0x142: {  	v61 =	vmul.f32 v24, v21;
	v26 =	vmax.f32 @p2 v26, v28;
	vm12 =	veq.f32 v24, $0.0e+00;
	v57 =	vpop (erf)  }
0x143: {  	vm2 =	vmor @p1 vm2, vm4;
	v26 =	vpsel p2, v26, v18;
	v23 =	vmul.f32 v57, v23  }
0x144: {  	v30 =	vadd.f32 @p1 v30, v33;
	v31 =	vmul.f32 @p1 v34, v31;
	vm2 =	vmor @p1 vm2, vm5  }
0x145: {  	v36 =	vor.u32 @p1 s2, v16;
	v58 =	vsub.f32 v22, v55;
	v59 =	vsub.f32 v22, v23  }
0x146: {  	vm3 =	vgt.u32 @p1 v36, v19;
	v23 =	vsub.f32 v23, v55;
	v60 =	vmul.f32 v56, v21  }
0x147: {  	v29 =	vadd.f32 @p1 v30, v31;
	v27 =	vmul.f32 v58, v58;
	v22 =	vmul.f32 v59, v59  }
0x148: {  	s4 =	smov.u32 s7;
	s2 =	sadd.s32 @p1 $0x10, s2;
	vm4 =	vlt.u32 @p1 v36, $0xFF;
	v62 =	vmul.f32 v56, v24;
	v23 =	vmul.f32 v23, v23  }
0x149: {  	v30 =	vor.u32 @p1 v20, v36;
	s4 =	smov.u32 @p1 s2;
	v27 =	vmul.f32 v27, v60;
	v22 =	vmul.f32 v22, v61  }
0x14a: {  	vm3 =	vmand @p1 vm3, vm4;
	v63 =	vor.u32 s4, v16;
	v29 =	vsel @p1 vm2, $0x0, v29  }
0x14b: {  	vm14 =	vgt.u32 v63, v19;
	v23 =	vmul.f32 v23, v62;
	v22 =	vadd.f32 v27, v22  }
0x14c: {  	vm15 =	vlt.u32 v63, $0xFF;
	v29 =	vnsel @p1 vm3, $0xBF800000, v29;
	vm3 =	veq.f32 v21, $0.0e+00  }
0x14d: {  	vm3 =	vmor vm3, vm12;
	vm13 =	veq.f32 v56, $0.0e+00;
	v22 =	vadd.f32 v22, v23  }
0x14e: {  	vm2 =	vgt.f32 @p1 v29, v26;
	v29 =	vpsel p1, v29, v0;
	vm3 =	vmor vm3, vm13  }
0x14f: {  	vm4 =	vmand vm14, vm15;
	v19 =	vsel vm3, $0x0, v22;
	v22 =	vmax.f32 @p1 v29, v26  }
0x150: {  	v23 =	vsel @p1 vm2, v30, v25;
	v19 =	vnsel vm4, $0xBF800000, v19;
	v18 =	vpsel p1, v22, v18  }
0x151: {  	v20 =	vor.u32 v20, v63;
	v17 =	vpsel p1, v23, v17;
	vm2 =	vgt.f32 v19, v18  }
0x152: {  	v18 =	vmax.f32 v19, v18;
	v17 =	vsel vm2, v20, v17  }
.LBB2_12:
0x153: {  	s29 =	sadd.s32 $0x1, s29  }
0x154: {  	p1 =	sne.s32 s29, $0x10  }
.Ltmp5:
0x155: {  	_ = 	snop;
	(pc) =	sbr.rel @!p1 .LBB2_13-.Ltmp5, $3  }
0x156: {  	_ =	sdelay $0x1  }
0x157: {  	s28 =	sadd.s32 $0x1, s28;
	s26 =	sadd.s32 $0x10, s26;
	s25 =	sadd.s32 $0x10, s25  }
0x158: {  	s24 =	sadd.s32 $0x10, s24;
	s23 =	sadd.s32 $0x10, s23;
	s7 =	sadd.s32 $0x10, s7  }
.LBB2_2:
0x159: {  	s2 =	sshll.u32 s29, $0x4  }
0x15a: {  	s19 =	sor.u32 s5, s2  }
0x15b: {  	v19 =	vmov s19;
	_ =	sdelay $0x4  }
0x15c: {  	v21 =	vld.idx.msk [tilespmem:v19+s15+$0x0], $0xffff;
	_ =	sdelay $0x4  }
0x15d: {  	(erf) = vrcp.f32 v21;
	_ =	sdelay $0x3  }
0x15e: {  	p1 =	sgt.u32 s19, $0xFE  }
.Ltmp6:
0x15f: {  	_ = 	snop;
	(pc) =	sbr.rel @p1 .LBB2_12-.Ltmp6, $2  }
0x160: {  	_ =	sdelay $0x2  }
0x161: {  	v23 =	vld.idx.msk [tilespmem:v19+s16+$0x0], $0xffff;
	v20 =	vpop (erf)  }
0x162: {  	v22 =	vld [tilespmem:s26+$0x0];
	_ =	sdelay $0x3  }
0x163: {  	s2 =	sadd.s32 $0x1, s28  }
0x164: {  	p3 =	slt.u32 s2, $0xF;
	v29 =	vsub.f32 v22, v21  }
.Ltmp7:
0x165: {  	_ = 	snop;
	(pc) =	sbr.rel @!p3 .LBB2_4-.Ltmp7, $3  }
0x166: {  	(erf) = vrcp.f32 v29;
	_ =	sdelay $0x1  }
0x167: {  	s4 =	sshll.u32 s19, $0x8  }
0x168: {  	v27 =	vld [tilespmem:s25+$0x0];
	s19 =	sadd.s32 $0x10, s26;
	p1 =	por $0x0, $0x0;
	p2 =	por $0x0, $0x0;
	v22 =	vmul.f32 v20, v23;
	v20 =	vmov s4  }
0x169: {  	v24 =	vld [tilespmem:s19+$0x0];
	_ =	sdelay $0x2  }
0x16a: {  	v25 =	vld [tilespmem:s23+$0x0]  }
0x16b: {  	v32 =	vld [tilespmem:s24+$0x0];
	s2 =	sadd.s32 $0x1, s2;
	v26 =	vsub.f32 v27, v23  }
0x16c: {  	p3 =	slt.u32 s2, $0xF;
	v27 =	vpop (erf);
	v24 =	vsub.f32 v24, v21  }
.Ltmp8:
0x16d: {  	v26 =	vmul.f32 v27, v26;
	(pc) =	sbr.rel @!p3 .LBB2_6-.Ltmp8, $4  }
0x16e: {  	(erf) = vrcp.f32 v24  }
0x16f: {  	v27 =	vsub.f32 v22, v25;
	v28 =	vsub.f32 v22, v26  }
0x170: {  	v33 =	vmul.f32 v29, v21;
	s20 =	sadd.s32 $0x10, s25;
	v30 =	vmul.f32 v32, v21  }
0x171: {  	s22 =	sadd.s32 $0x10, s19;
	p1 =	por $0x1, $0x1;
	v36 =	vmul.f32 v27, v27;
	v27 =	vld [tilespmem:s20+$0x0];
	v35 =	vsub.f32 v26, v25;
	v37 =	vmul.f32 v28, v28  }
0x172: {  	_ = 	snop  }
0x173: {  	v25 =	vld [tilespmem:s22+$0x0];
	v28 =	vmul.f32 v32, v29  }
0x174: {  	v34 =	vor.u32 s7, v16;
	vm2 =	veq.f32 v21, $0.0e+00;
	v26 =	vmul.f32 v36, v30  }
0x175: {  	s31 =	sadd.s32 $0x10, s23;
	vm15 =	veq.f32 v29, $0.0e+00;
	v30 =	vmul.f32 v37, v33;
	v62 =	vmul.f32 v35, v35  }
0x176: {  	vm5 =	veq.f32 v32, $0.0e+00;
	v63 =	vld [tilespmem:s31+$0x0];
	vm3 =	vgt.u32 v34, v19;
	v27 =	vsub.f32 v27, v23  }
0x177: {  	s30 =	sadd.s32 $0x10, s24;
	vm4 =	vlt.u32 v34, $0xFF;
	v26 =	vadd.f32 v26, v30;
	v28 =	vmul.f32 v62, v28;
	v29 =	vpop (erf)  }
0x178: {  	s19 =	sadd.s32 $0x1, s2;
	v31 =	vld [tilespmem:s30+$0x0];
	v38 =	vor.u32 v20, v34;
	v34 =	vsub.f32 v25, v21;
	v25 =	vmul.f32 v29, v27  }
0x179: {  	p3 =	slt.u32 s19, $0xF;
	vm3 =	vmand vm3, vm4;
	vm4 =	vmor vm2, vm15;
	v26 =	vadd.f32 v26, v28  }
.Ltmp9:
0x17a: {  	vm4 =	vmor vm4, vm5;
	v28 =	vsub.f32 v22, v25;
	(pc) =	sbr.rel @!p3 .LBB2_8-.Ltmp9, $4  }
0x17b: {  	v27 =	vsub.f32 v22, v63;
	v26 =	vsel vm4, $0x0, v26;
	(erf) = vrcp.f32 v34  }
0x17c: {  	v33 =	vmul.f32 v24, v21;
	v26 =	vnsel vm3, $0xBF800000, v26  }
0x17d: {  	s20 =	sadd.s32 $0x10, s20;
	v30 =	vmul.f32 v31, v21;
	v36 =	vmul.f32 v27, v27;
	vm3 =	vgt.f32 v26, v18  }
0x17e: {  	s2 =	sadd.s32 $0x10, s22;
	p2 =	por $0x1, $0x1;
	s22 =	smov.u32 s7;
	v27 =	vld [tilespmem:s20+$0x0];
	v35 =	vsub.f32 v25, v63;
	v37 =	vmul.f32 v28, v28;
	v25 =	vsel vm3, v38, v17;
	v28 =	vmovc v18  }
.LBB2_9:
0x17f: {  	v29 =	vld [tilespmem:s2+$0x0];
	s19 =	sadd.s32 $0x1, s19;
	v30 =	vmul.f32 v36, v30;
	v32 =	vmul.f32 v31, v24;
	s30 =	sadd.s32 $0x10, s30;
	s22 =	sadd.s32 $0x10, s22  }
0x180: {  	s31 =	sadd.s32 $0x10, s31;
	p3 =	slt.u32 s19, $0xF;
	v36 =	vld [tilespmem:s30+$0x0];
	v33 =	vmul.f32 v37, v33;
	v35 =	vmul.f32 v35, v35;
	v37 =	vor.u32 s22, v16  }
0x181: {  	v38 =	vld [tilespmem:s31+$0x0];
	vm3 =	vgt.u32 v37, v19;
	vm4 =	vlt.u32 v37, $0xFF;
	v39 =	vor.u32 v20, v37  }
0x182: {  	v30 =	vadd.f32 v30, v33;
	v32 =	vmul.f32 v35, v32;
	vm3 =	vmand vm3, vm4  }
0x183: {  	vm5 =	veq.f32 v31, $0.0e+00;
	vm4 =	veq.f32 v24, $0.0e+00;
	v24 =	vmovc v34;
	v27 =	vsub.f32 v27, v23  }
0x184: {  	vm4 =	vmor vm2, vm4;
	v34 =	vsub.f32 v29, v21;
	v29 =	vpop (erf);
	v32 =	vadd.f32 v30, v32  }
.Ltmp10:
0x185: {  	vm4 =	vmor vm4, vm5;
	v29 =	vmul.f32 v29, v27;
	v30 =	vmul.f32 v36, v21;
	v31 =	vmovc v36;
	(pc) =	sbr.rel @p3 .LBB2_9-.Ltmp10, $4  }
0x186: {  	(erf) = vrcp.f32 v34;
	v27 =	vsub.f32 v22, v38;
	v32 =	vsel vm4, $0x0, v32  }
0x187: {  	v28 =	vmax.f32 v26, v28;
	v37 =	vsub.f32 v22, v29;
	v26 =	vnsel vm3, $0xBF800000, v32  }
0x188: {  	s20 =	sadd.s32 $0x10, s20;
	v33 =	vmul.f32 v24, v21;
	v36 =	vmul.f32 v27, v27;
	vm3 =	vgt.f32 v26, v28  }
0x189: {  	s2 =	sadd.s32 $0x10, s2;
	v35 =	vsub.f32 v29, v38;
	v27 =	vld [tilespmem:s20+$0x0];
	v37 =	vmul.f32 v37, v37;
	v25 =	vsel vm3, v39, v25  }
.Ltmp11:
0x18a: {  	(pc) =	sbr.rel .LBB2_11-.Ltmp11, $2  }
0x18b: {  	_ =	sdelay $0x2  }
0x18c: {  	v29 =	vmov v24;
	v32 =	vmov v31;
	v24 =	vmov v34  }
.LBB2_6:
.Ltmp12:
0x18d: {  	(pc) =	sbr.rel .LBB2_11-.Ltmp12, $2  }
0x18e: {  	_ =	sdelay $0x2  }
0x18f: {  	s30 =	smov.u32 s24;
	s22 =	smov.u32 s7;
	s31 =	smov.u32 s23;
	v28 =	vmov v18;
	v25 =	vmov v17  }
.LBB2_8:
.Ltmp13:
0x190: {  	(pc) =	sbr.rel .LBB2_11-.Ltmp13, $2  }
0x191: {  	_ =	sdelay $0x2  }
0x192: {  	v29 =	vmovc v24;
	v32 =	vmov v31;
	s22 =	smov.u32 s7;
	v24 =	vmov v34;
	v28 =	vmov v18  }
.LBB2_16:
0x193: {  	_ =	sfence.sel $0x180000  }
0x194: {  	[bflag:$0x0] =	sbarrier.arrive $0xFFFF  }
0x195: {  	_ =	strace $0x90000047  }
0x196: {  	[bflag:$0x2] =	sbarrier.arrive $0xFFFF  }
0x197: {  	s0 =	rddreg [dreg:$0x3]  }
0x198: {  	s0 =	sadd.s32 @!p0 $0x100000, s0  }
0x199: {  	[sflag:s0] =	ssyncadd.tile.s32 @!p0 $0x1;
	_ =	shalt  }
.Lfunc_end2:
_tile_overlayer_lowered:
.L_overlay_start_2:
0x19a: {  	(tag) =	ssettag $0x2  }
0x19b: {  	s0 =	rddreg [dreg:$0x0];
	s2 =	stileid.u32  }
0x19c: {  	s1 =	rddreg [dreg:$0x1];
	p0 =	sne.s32 s2, $0x0  }
0x19d: {  	s3 =	rddreg [dreg:$0x2];
	[bflag:$0x3] =	sbarrier.arrive $0xFFFF;
	s2 =	simm.s32 @!p0 $0x1C01  }
0x19e: {  	[timem:s3], [sflag:s2] =	dma.local @!p0 [hbm:s0], s1  }
0x19f: {  	s0 =	simm.s32 @!p0 $0x1  }
0x1a0: {  	_ =	swait.ge @!p0 [sflag:s0], s1  }
0x1a1: {  	s1 =	ssub.s32 @!p0 $0x0, s1;
	[sflag:s0] =	ssyncset.done @!p0 $0x0  }
0x1a2: {  	[sflag:s0] =	ssyncadd.s32 @!p0 s1  }
0x1a3: {  	[bflag:$0x3] =	sbarrier.arrive $0xFFFF  }
0x1a4: {  	_ =	shalt  }

</sc_bundles>
